<compile_context>
chip_gen: v7x
topology: tpu7x:2x2x1
jax: 0.10.2.dev20260603
libtpu: 0.0.44.dev20260713+nightly
codegen_flags: <defaults>
</compile_context>

<pallas_src>
import functools

import jax
import jax.numpy as jnp
from jax import lax
from jax.experimental import pallas as pl
from jax.experimental.pallas import tpu as pltpu
from jax.experimental.pallas import tpu_sc as plsc

_R = 16384
_F = 26
_CARD = 64
_W = _F * _CARD
_NW = 32
_RPW = _R // _NW
_CROWS = 16
_NCHUNK = _RPW // _CROWS
_CVALS = _CROWS * _F
_L = 16


def _body(x_hbm, out_hbm, idx_v, buf0, buf1, rtab, ctab, sem0, sem1):
    wid = lax.axis_index("s") * 2 + lax.axis_index("c")
    row0 = wid * _RPW
    idx_cp = pltpu.make_async_copy(x_hbm.at[pl.ds(row0, _RPW), :], idx_v, sem0)
    idx_cp.start()

    iota = lax.iota(jnp.int32, _L)
    ones = jnp.full((_L,), 1, jnp.int32)
    zeros = jnp.zeros((_L,), jnp.int32)
    bufs = (buf0, buf1)
    sems = (sem0, sem1)

    def tinit(i, c):
        g = iota + i * _L
        r = g // _F
        f = g - r * _F
        rtab[pl.ds(i * _L, _L)] = r
        ctab[pl.ds(i * _L, _L)] = f
        return c

    lax.fori_loop(0, _CVALS // _L, tinit, 0)

    def zinit(i, c):
        def zrow(rr, c2):
            for k in range(4):
                buf0[rr, pl.ds((i * 4 + k) * _L, _L)] = zeros
                buf1[rr, pl.ds((i * 4 + k) * _L, _L)] = zeros
            return c2

        lax.fori_loop(0, _CROWS, zrow, 0)
        return c

    lax.fori_loop(0, _W // (_L * 4), zinit, 0)
    idx_cp.wait()

    def poke(ci, b, val):
        rbase = ci * _CROWS

        def step(i, c):
            for k in (0, 1):
                j = 2 * i + k
                r = rtab[pl.ds(j * _L, _L)]
                f = ctab[pl.ds(j * _L, _L)]
                vals = plsc.load_gather(idx_v, [rbase + r, f])
                plsc.store_scatter(bufs[b], [r, f * _CARD + vals], val)
            return c

        lax.fori_loop(0, _CVALS // (2 * _L), step, 0)

    def start(ci, b):
        pltpu.make_async_copy(
            bufs[b],
            out_hbm.at[pl.ds(row0 + ci * _CROWS, _CROWS), :],
            sems[b],
        ).start()

    def drain(b):
        pltpu.make_async_copy(
            bufs[b],
            out_hbm.at[pl.ds(row0, _CROWS), :],
            sems[b],
        ).wait()

    for b in (0, 1):
        poke(b, b, ones)
        start(b, b)

    def pair(p, c):
        for b in (0, 1):
            ci = 2 * p + b
            drain(b)
            poke(ci - 2, b, zeros)
            poke(ci, b, ones)
            start(ci, b)
        return c

    lax.fori_loop(1, _NCHUNK // 2, pair, 0)
    drain(0)
    drain(1)


@jax.jit
def _onehot(x):
    mesh = plsc.VectorSubcoreMesh(core_axis_name="c", subcore_axis_name="s")
    f = functools.partial(
        pl.kernel,
        mesh=mesh,
        out_type=jax.ShapeDtypeStruct((_R, _W), jnp.int32),
        scratch_types=[
            pltpu.VMEM((_RPW, _F), jnp.int32),
            pltpu.VMEM((_CROWS, _W), jnp.int32),
            pltpu.VMEM((_CROWS, _W), jnp.int32),
            pltpu.VMEM((_CVALS,), jnp.int32),
            pltpu.VMEM((_CVALS,), jnp.int32),
            pltpu.SemaphoreType.DMA,
            pltpu.SemaphoreType.DMA,
        ],
        compiler_params=pltpu.CompilerParams(needs_layout_passes=False),
    )(_body)
    return f(x)


def kernel(x):
    return _onehot(x.astype(jnp.int32))

# --- scband reference (transcript-rebuilt; emitter-appended) ---
"""Pipeline reference for scband-one-hot-encoding0d-71932112274107 (READ-ONLY COPY).

The authoritative reference and input builder live on the scoring server;
editing this copy changes nothing except your own understanding.
"""

import jax, jax.numpy as jnp
import numpy as np

CARDINALITIES = [64] * 26

def setup_inputs(seed: int = 0) -> dict:
    key = jax.random.key(seed)
    x = jax.random.randint(key, (16384, 26), 0, 64, dtype=jnp.int64)
    return {"x": x}

def reference(x):
    # Faithful translation of OneHotEncoding0d.forward:
    # for each field i: F.one_hot(x[..., i], cardinality+1)[..., :-1], then concat on last dim.
    outs = []
    for i, cardinality in enumerate(CARDINALITIES):
        oh = jax.nn.one_hot(x[..., i], cardinality + 1, dtype=jnp.int64)
        outs.append(oh[..., :-1])
    return jnp.concatenate(outs, axis=-1)

if __name__ == "__main__":
    import jax
    _d = setup_inputs()
    print(jax.jit(kernel)(*tuple(_d.values())))

</pallas_src>

<mosaic_0001>
#map = affine_map<(d0, d1) -> (0, 0)>
module attributes {stable_mosaic.version = 14 : i64} {
  func.func @_body(%arg0: i32, %arg1: i32, %arg2: memref<16384x26xi32, #tpu.memory_space<hbm>>, %arg3: memref<16384x1664xi32, #tpu.memory_space<hbm>>, %arg4: memref<512x26xi32, #tpu.memory_space<vmem>>, %arg5: memref<16x1664xi32, #tpu.memory_space<vmem>>, %arg6: memref<16x1664xi32, #tpu.memory_space<vmem>>, %arg7: memref<416xi32, #tpu.memory_space<vmem>>, %arg8: memref<416xi32, #tpu.memory_space<vmem>>, %arg9: memref<!tpu.dma_semaphore, #tpu.memory_space<semaphore_mem>>, %arg10: memref<!tpu.dma_semaphore, #tpu.memory_space<semaphore_mem>>) attributes {dimension_semantics = [#tpu.dimension_semantics<core_parallel>, #tpu.dimension_semantics<subcore_parallel>], iteration_bounds = array<i64: 2, 16>, scalar_prefetch = 0 : i64, scratch_operands = 7 : i64, tpu.core_type = #tpu.core_type<sc_vector_subcore>, window_params = [{transform_indices = #map}, {transform_indices = #map}]} {
    %mul3A = arith.constant 2 : i32
    %mul3A_0 = arith.muli %arg1, %mul3A : i32
    %add3A = arith.addi %mul3A_0, %arg0 : i32
    %mul3A_1 = arith.constant 512 : i32
    %mul3A_2 = arith.muli %add3A, %mul3A_1 : i32
    %dma_start3A = arith.constant 0 : i32
    %dma_start3A_3 = tpu.memref_slice %arg2[%mul3A_2, %dma_start3A] : memref<16384x26xi32, #tpu.memory_space<hbm>> -> memref<512x26xi32, #tpu.memory_space<hbm>>
    %dma_start3A_4 = arith.constant 0 : i32
    %dma_start3A_5 = tpu.memref_slice %arg2[%mul3A_2, %dma_start3A_4] : memref<16384x26xi32, #tpu.memory_space<hbm>> -> memref<512x26xi32, #tpu.memory_space<hbm>>
    tpu.enqueue_dma source(%dma_start3A_5 : memref<512x26xi32, #tpu.memory_space<hbm>>) target(%arg4 : memref<512x26xi32, #tpu.memory_space<vmem>>) target_semaphore(%arg9 : memref<!tpu.dma_semaphore, #tpu.memory_space<semaphore_mem>>)
    %iota3A = tpu.iota {dimensions = array<i32: 0>} : vector<16xi32>
    %broadcast_in_dim3A = arith.constant 1 : i32
    %broadcast_in_dim3A_6 = vector.broadcast %broadcast_in_dim3A : i32 to vector<16xi32>
    %broadcast_in_dim3A_7 = arith.constant 0 : i32
    %broadcast_in_dim3A_8 = vector.broadcast %broadcast_in_dim3A_7 : i32 to vector<16xi32>
    %scan3A = arith.constant 0 : i32
    %scan3A_9 = arith.constant 0 : i32
    %scan3A_10 = arith.constant 26 : i32
    %scan3A_11 = arith.addi %scan3A_9, %scan3A_10 : i32
    %scan3A_12 = arith.constant 1 : i32
    scf.for %scan3A_61 = %scan3A_9 to %scan3A_11 step %scan3A_12  : i32 {
      %mul3A_62 = arith.constant 16 : i32
      %mul3A_63 = arith.muli %scan3A_61, %mul3A_62 : i32
      %add3A_64 = vector.broadcast %mul3A_63 : i32 to vector<16xi32>
      %add3A_65 = arith.addi %iota3A, %add3A_64 : vector<16xi32>
      %jit3A = arith.constant 26 : i32
      %div3A = vector.broadcast %jit3A : i32 to vector<16xi32>
      %div3A_66 = arith.divsi %add3A_65, %div3A : vector<16xi32>
      %sign3A = arith.constant 0 : i32
      %sign3A_67 = vector.broadcast %sign3A : i32 to vector<16xi32>
      %sign3A_68 = arith.cmpi sgt, %add3A_65, %sign3A_67 : vector<16xi32>
      %sign3A_69 = arith.extui %sign3A_68 : vector<16xi1> to vector<16xi32>
      %sign3A_70 = arith.constant 0 : i32
      %sign3A_71 = vector.broadcast %sign3A_70 : i32 to vector<16xi32>
      %sign3A_72 = arith.cmpi slt, %add3A_65, %sign3A_71 : vector<16xi32>
      %sign3A_73 = arith.extui %sign3A_72 : vector<16xi1> to vector<16xi32>
      %sign3A_74 = arith.subi %sign3A_69, %sign3A_73 : vector<16xi32>
      %sign3A_75 = arith.constant 0 : i32
      %sign3A_76 = arith.cmpi sgt, %jit3A, %sign3A_75 : i32
      %sign3A_77 = arith.extui %sign3A_76 : i1 to i32
      %sign3A_78 = arith.constant 0 : i32
      %sign3A_79 = arith.cmpi slt, %jit3A, %sign3A_78 : i32
      %sign3A_80 = arith.extui %sign3A_79 : i1 to i32
      %sign3A_81 = arith.subi %sign3A_77, %sign3A_80 : i32
      %ne3A = vector.broadcast %sign3A_81 : i32 to vector<16xi32>
      %ne3A_82 = arith.cmpi ne, %sign3A_74, %ne3A : vector<16xi32>
      %rem3A = vector.broadcast %jit3A : i32 to vector<16xi32>
      %rem3A_83 = arith.remsi %add3A_65, %rem3A : vector<16xi32>
      %ne3A_84 = arith.constant 0 : i32
      %ne3A_85 = vector.broadcast %ne3A_84 : i32 to vector<16xi32>
      %ne3A_86 = arith.cmpi ne, %rem3A_83, %ne3A_85 : vector<16xi32>
      %and3A = arith.andi %ne3A_82, %ne3A_86 : vector<16xi1>
      %sub3A = arith.constant 1 : i32
      %sub3A_87 = vector.broadcast %sub3A : i32 to vector<16xi32>
      %sub3A_88 = arith.subi %div3A_66, %sub3A_87 : vector<16xi32>
      %select_n3A = arith.select %and3A, %sub3A_88, %div3A_66 : vector<16xi1>, vector<16xi32>
      %mul3A_89 = arith.constant 26 : i32
      %mul3A_90 = vector.broadcast %mul3A_89 : i32 to vector<16xi32>
      %mul3A_91 = arith.muli %select_n3A, %mul3A_90 : vector<16xi32>
      %sub3A_92 = arith.subi %add3A_65, %mul3A_91 : vector<16xi32>
      %mul3A_93 = arith.constant 16 : i32
      %mul3A_94 = arith.muli %scan3A_61, %mul3A_93 : i32
      %swap3A = arith.index_cast %mul3A_94 : i32 to index
      %swap3A_95 = tpu.vector_load %arg7[%swap3A] {strides = array<i32>} : memref<416xi32, #tpu.memory_space<vmem>>, vector<16xi32>,
      tpu.vector_store %arg7[%swap3A], %select_n3A {strides = array<i32>} : memref<416xi32, #tpu.memory_space<vmem>>, vector<16xi32>,
      %mul3A_96 = arith.constant 16 : i32
      %mul3A_97 = arith.muli %scan3A_61, %mul3A_96 : i32
      %swap3A_98 = arith.index_cast %mul3A_97 : i32 to index
      %swap3A_99 = tpu.vector_load %arg8[%swap3A_98] {strides = array<i32>} : memref<416xi32, #tpu.memory_space<vmem>>, vector<16xi32>,
      tpu.vector_store %arg8[%swap3A_98], %sub3A_92 {strides = array<i32>} : memref<416xi32, #tpu.memory_space<vmem>>, vector<16xi32>,
    }
    %scan3A_13 = arith.constant 26 : i32
    %scan3A_14 = arith.constant 0 : i32
    %scan3A_15 = arith.constant 0 : i32
    %scan3A_16 = arith.constant 26 : i32
    %scan3A_17 = arith.addi %scan3A_15, %scan3A_16 : i32
    %scan3A_18 = arith.constant 1 : i32
    scf.for %scan3A_61 = %scan3A_15 to %scan3A_17 step %scan3A_18  : i32 {
      %scan3A_62 = arith.constant 0 : i32
      %scan3A_63 = arith.constant 0 : i32
      %scan3A_64 = arith.constant 16 : i32
      %scan3A_65 = arith.addi %scan3A_63, %scan3A_64 : i32
      %scan3A_66 = arith.constant 1 : i32
      scf.for %scan3A_68 = %scan3A_63 to %scan3A_65 step %scan3A_66  : i32 {
        %mul3A_69 = arith.constant 4 : i32
        %mul3A_70 = arith.muli %scan3A_61, %mul3A_69 : i32
        %add3A_71 = arith.constant 0 : i32
        %add3A_72 = arith.addi %mul3A_70, %add3A_71 : i32
        %mul3A_73 = arith.constant 16 : i32
        %mul3A_74 = arith.muli %add3A_72, %mul3A_73 : i32
        %swap3A = arith.index_cast %scan3A_68 : i32 to index
        %swap3A_75 = arith.index_cast %mul3A_74 : i32 to index
        %swap3A_76 = tpu.vector_load %arg5[%swap3A, %swap3A_75] {strides = array<i32>} : memref<16x1664xi32, #tpu.memory_space<vmem>>, vector<16xi32>,
        tpu.vector_store %arg5[%swap3A, %swap3A_75], %broadcast_in_dim3A_8 {strides = array<i32>} : memref<16x1664xi32, #tpu.memory_space<vmem>>, vector<16xi32>,
        %mul3A_77 = arith.constant 4 : i32
        %mul3A_78 = arith.muli %scan3A_61, %mul3A_77 : i32
        %add3A_79 = arith.constant 0 : i32
        %add3A_80 = arith.addi %mul3A_78, %add3A_79 : i32
        %mul3A_81 = arith.constant 16 : i32
        %mul3A_82 = arith.muli %add3A_80, %mul3A_81 : i32
        %swap3A_83 = arith.index_cast %scan3A_68 : i32 to index
        %swap3A_84 = arith.index_cast %mul3A_82 : i32 to index
        %swap3A_85 = tpu.vector_load %arg6[%swap3A_83, %swap3A_84] {strides = array<i32>} : memref<16x1664xi32, #tpu.memory_space<vmem>>, vector<16xi32>,
        tpu.vector_store %arg6[%swap3A_83, %swap3A_84], %broadcast_in_dim3A_8 {strides = array<i32>} : memref<16x1664xi32, #tpu.memory_space<vmem>>, vector<16xi32>,
        %mul3A_86 = arith.constant 4 : i32
        %mul3A_87 = arith.muli %scan3A_61, %mul3A_86 : i32
        %add3A_88 = arith.constant 1 : i32
        %add3A_89 = arith.addi %mul3A_87, %add3A_88 : i32
        %mul3A_90 = arith.constant 16 : i32
        %mul3A_91 = arith.muli %add3A_89, %mul3A_90 : i32
        %swap3A_92 = arith.index_cast %scan3A_68 : i32 to index
        %swap3A_93 = arith.index_cast %mul3A_91 : i32 to index
        %swap3A_94 = tpu.vector_load %arg5[%swap3A_92, %swap3A_93] {strides = array<i32>} : memref<16x1664xi32, #tpu.memory_space<vmem>>, vector<16xi32>,
        tpu.vector_store %arg5[%swap3A_92, %swap3A_93], %broadcast_in_dim3A_8 {strides = array<i32>} : memref<16x1664xi32, #tpu.memory_space<vmem>>, vector<16xi32>,
        %mul3A_95 = arith.constant 4 : i32
        %mul3A_96 = arith.muli %scan3A_61, %mul3A_95 : i32
        %add3A_97 = arith.constant 1 : i32
        %add3A_98 = arith.addi %mul3A_96, %add3A_97 : i32
        %mul3A_99 = arith.constant 16 : i32
        %mul3A_100 = arith.muli %add3A_98, %mul3A_99 : i32
        %swap3A_101 = arith.index_cast %scan3A_68 : i32 to index
        %swap3A_102 = arith.index_cast %mul3A_100 : i32 to index
        %swap3A_103 = tpu.vector_load %arg6[%swap3A_101, %swap3A_102] {strides = array<i32>} : memref<16x1664xi32, #tpu.memory_space<vmem>>, vector<16xi32>,
        tpu.vector_store %arg6[%swap3A_101, %swap3A_102], %broadcast_in_dim3A_8 {strides = array<i32>} : memref<16x1664xi32, #tpu.memory_space<vmem>>, vector<16xi32>,
        %mul3A_104 = arith.constant 4 : i32
        %mul3A_105 = arith.muli %scan3A_61, %mul3A_104 : i32
        %add3A_106 = arith.constant 2 : i32
        %add3A_107 = arith.addi %mul3A_105, %add3A_106 : i32
        %mul3A_108 = arith.constant 16 : i32
        %mul3A_109 = arith.muli %add3A_107, %mul3A_108 : i32
        %swap3A_110 = arith.index_cast %scan3A_68 : i32 to index
        %swap3A_111 = arith.index_cast %mul3A_109 : i32 to index
        %swap3A_112 = tpu.vector_load %arg5[%swap3A_110, %swap3A_111] {strides = array<i32>} : memref<16x1664xi32, #tpu.memory_space<vmem>>, vector<16xi32>,
        tpu.vector_store %arg5[%swap3A_110, %swap3A_111], %broadcast_in_dim3A_8 {strides = array<i32>} : memref<16x1664xi32, #tpu.memory_space<vmem>>, vector<16xi32>,
        %mul3A_113 = arith.constant 4 : i32
        %mul3A_114 = arith.muli %scan3A_61, %mul3A_113 : i32
        %add3A_115 = arith.constant 2 : i32
        %add3A_116 = arith.addi %mul3A_114, %add3A_115 : i32
        %mul3A_117 = arith.constant 16 : i32
        %mul3A_118 = arith.muli %add3A_116, %mul3A_117 : i32
        %swap3A_119 = arith.index_cast %scan3A_68 : i32 to index
        %swap3A_120 = arith.index_cast %mul3A_118 : i32 to index
        %swap3A_121 = tpu.vector_load %arg6[%swap3A_119, %swap3A_120] {strides = array<i32>} : memref<16x1664xi32, #tpu.memory_space<vmem>>, vector<16xi32>,
        tpu.vector_store %arg6[%swap3A_119, %swap3A_120], %broadcast_in_dim3A_8 {strides = array<i32>} : memref<16x1664xi32, #tpu.memory_space<vmem>>, vector<16xi32>,
        %mul3A_122 = arith.constant 4 : i32
        %mul3A_123 = arith.muli %scan3A_61, %mul3A_122 : i32
        %add3A_124 = arith.constant 3 : i32
        %add3A_125 = arith.addi %mul3A_123, %add3A_124 : i32
        %mul3A_126 = arith.constant 16 : i32
        %mul3A_127 = arith.muli %add3A_125, %mul3A_126 : i32
        %swap3A_128 = arith.index_cast %scan3A_68 : i32 to index
        %swap3A_129 = arith.index_cast %mul3A_127 : i32 to index
        %swap3A_130 = tpu.vector_load %arg5[%swap3A_128, %swap3A_129] {strides = array<i32>} : memref<16x1664xi32, #tpu.memory_space<vmem>>, vector<16xi32>,
        tpu.vector_store %arg5[%swap3A_128, %swap3A_129], %broadcast_in_dim3A_8 {strides = array<i32>} : memref<16x1664xi32, #tpu.memory_space<vmem>>, vector<16xi32>,
        %mul3A_131 = arith.constant 4 : i32
        %mul3A_132 = arith.muli %scan3A_61, %mul3A_131 : i32
        %add3A_133 = arith.constant 3 : i32
        %add3A_134 = arith.addi %mul3A_132, %add3A_133 : i32
        %mul3A_135 = arith.constant 16 : i32
        %mul3A_136 = arith.muli %add3A_134, %mul3A_135 : i32
        %swap3A_137 = arith.index_cast %scan3A_68 : i32 to index
        %swap3A_138 = arith.index_cast %mul3A_136 : i32 to index
        %swap3A_139 = tpu.vector_load %arg6[%swap3A_137, %swap3A_138] {strides = array<i32>} : memref<16x1664xi32, #tpu.memory_space<vmem>>, vector<16xi32>,
        tpu.vector_store %arg6[%swap3A_137, %swap3A_138], %broadcast_in_dim3A_8 {strides = array<i32>} : memref<16x1664xi32, #tpu.memory_space<vmem>>, vector<16xi32>,
      }
      %scan3A_67 = arith.constant 16 : i32
    }
    %scan3A_19 = arith.constant 26 : i32
    %dma_wait3A = arith.constant 0 : i32
    %dma_wait3A_20 = tpu.memref_slice %arg2[%mul3A_2, %dma_wait3A] : memref<16384x26xi32, #tpu.memory_space<hbm>> -> memref<512x26xi32, #tpu.memory_space<hbm>>
    %dma_wait3A_21 = arith.constant 0 : i32
    %dma_wait3A_22 = tpu.memref_slice %arg2[%mul3A_2, %dma_wait3A_21] : memref<16384x26xi32, #tpu.memory_space<hbm>> -> memref<512x26xi32, #tpu.memory_space<hbm>>
    tpu.wait_dma2 semaphore(%arg9 : memref<!tpu.dma_semaphore, #tpu.memory_space<semaphore_mem>>) src(%dma_wait3A_22 : memref<512x26xi32, #tpu.memory_space<hbm>>) dst(%arg4 : memref<512x26xi32, #tpu.memory_space<vmem>>)
    %scan3A_23 = arith.constant 0 : i32
    %scan3A_24 = arith.constant 0 : i32
    %scan3A_25 = arith.constant 13 : i32
    %scan3A_26 = arith.addi %scan3A_24, %scan3A_25 : i32
    %scan3A_27 = arith.constant 1 : i32
    scf.for %scan3A_61 = %scan3A_24 to %scan3A_26 step %scan3A_27  : i32 {
      %mul3A_62 = arith.constant 2 : i32
      %mul3A_63 = arith.muli %mul3A_62, %scan3A_61 : i32
      %add3A_64 = arith.constant 0 : i32
      %add3A_65 = arith.addi %mul3A_63, %add3A_64 : i32
      %mul3A_66 = arith.constant 16 : i32
      %mul3A_67 = arith.muli %add3A_65, %mul3A_66 : i32
      %get3A = arith.index_cast %mul3A_67 : i32 to index
      %get3A_68 = tpu.vector_load %arg7[%get3A] {strides = array<i32>} : memref<416xi32, #tpu.memory_space<vmem>>, vector<16xi32>,
      %mul3A_69 = arith.constant 16 : i32
      %mul3A_70 = arith.muli %add3A_65, %mul3A_69 : i32
      %get3A_71 = arith.index_cast %mul3A_70 : i32 to index
      %get3A_72 = tpu.vector_load %arg8[%get3A_71] {strides = array<i32>} : memref<416xi32, #tpu.memory_space<vmem>>, vector<16xi32>,
      %add3A_73 = arith.constant 0 : i32
      %add3A_74 = vector.broadcast %add3A_73 : i32 to vector<16xi32>
      %add3A_75 = arith.addi %add3A_74, %get3A_68 : vector<16xi32>
      %gather3A = tpu.vector_load_idx %arg4[%add3A_75, %get3A_72] : memref<512x26xi32, #tpu.memory_space<vmem>>[vector<16xi32>, vector<16xi32>], vector<16xi32>,
      %mul3A_76 = arith.constant 64 : i32
      %mul3A_77 = vector.broadcast %mul3A_76 : i32 to vector<16xi32>
      %mul3A_78 = arith.muli %get3A_72, %mul3A_77 : vector<16xi32>
      %add3A_79 = arith.addi %mul3A_78, %gather3A : vector<16xi32>
      tpu.vector_store_idx %arg5[%get3A_68, %add3A_79], %broadcast_in_dim3A_6 : memref<16x1664xi32, #tpu.memory_space<vmem>>[vector<16xi32>, vector<16xi32>], vector<16xi32>,
      %mul3A_80 = arith.constant 2 : i32
      %mul3A_81 = arith.muli %mul3A_80, %scan3A_61 : i32
      %add3A_82 = arith.constant 1 : i32
      %add3A_83 = arith.addi %mul3A_81, %add3A_82 : i32
      %mul3A_84 = arith.constant 16 : i32
      %mul3A_85 = arith.muli %add3A_83, %mul3A_84 : i32
      %get3A_86 = arith.index_cast %mul3A_85 : i32 to index
      %get3A_87 = tpu.vector_load %arg7[%get3A_86] {strides = array<i32>} : memref<416xi32, #tpu.memory_space<vmem>>, vector<16xi32>,
      %mul3A_88 = arith.constant 16 : i32
      %mul3A_89 = arith.muli %add3A_83, %mul3A_88 : i32
      %get3A_90 = arith.index_cast %mul3A_89 : i32 to index
      %get3A_91 = tpu.vector_load %arg8[%get3A_90] {strides = array<i32>} : memref<416xi32, #tpu.memory_space<vmem>>, vector<16xi32>,
      %add3A_92 = arith.constant 0 : i32
      %add3A_93 = vector.broadcast %add3A_92 : i32 to vector<16xi32>
      %add3A_94 = arith.addi %add3A_93, %get3A_87 : vector<16xi32>
      %gather3A_95 = tpu.vector_load_idx %arg4[%add3A_94, %get3A_91] : memref<512x26xi32, #tpu.memory_space<vmem>>[vector<16xi32>, vector<16xi32>], vector<16xi32>,
      %mul3A_96 = arith.constant 64 : i32
      %mul3A_97 = vector.broadcast %mul3A_96 : i32 to vector<16xi32>
      %mul3A_98 = arith.muli %get3A_91, %mul3A_97 : vector<16xi32>
      %add3A_99 = arith.addi %mul3A_98, %gather3A_95 : vector<16xi32>
      tpu.vector_store_idx %arg5[%get3A_87, %add3A_99], %broadcast_in_dim3A_6 : memref<16x1664xi32, #tpu.memory_space<vmem>>[vector<16xi32>, vector<16xi32>], vector<16xi32>,
    }
    %scan3A_28 = arith.constant 13 : i32
    %add3A_29 = arith.constant 0 : i32
    %add3A_30 = arith.addi %mul3A_2, %add3A_29 : i32
    %dma_start3A_31 = arith.constant 0 : i32
    %dma_start3A_32 = tpu.memref_slice %arg3[%add3A_30, %dma_start3A_31] : memref<16384x1664xi32, #tpu.memory_space<hbm>> -> memref<16x1664xi32, #tpu.memory_space<hbm>>
    %dma_start3A_33 = arith.constant 0 : i32
    %dma_start3A_34 = tpu.memref_slice %arg3[%add3A_30, %dma_start3A_33] : memref<16384x1664xi32, #tpu.memory_space<hbm>> -> memref<16x1664xi32, #tpu.memory_space<hbm>>
    tpu.enqueue_dma source(%arg5 : memref<16x1664xi32, #tpu.memory_space<vmem>>) target(%dma_start3A_34 : memref<16x1664xi32, #tpu.memory_space<hbm>>) target_semaphore(%arg9 : memref<!tpu.dma_semaphore, #tpu.memory_space<semaphore_mem>>)
    %scan3A_35 = arith.constant 0 : i32
    %scan3A_36 = arith.constant 0 : i32
    %scan3A_37 = arith.constant 13 : i32
    %scan3A_38 = arith.addi %scan3A_36, %scan3A_37 : i32
    %scan3A_39 = arith.constant 1 : i32
    scf.for %scan3A_61 = %scan3A_36 to %scan3A_38 step %scan3A_39  : i32 {
      %mul3A_62 = arith.constant 2 : i32
      %mul3A_63 = arith.muli %mul3A_62, %scan3A_61 : i32
      %add3A_64 = arith.constant 0 : i32
      %add3A_65 = arith.addi %mul3A_63, %add3A_64 : i32
      %mul3A_66 = arith.constant 16 : i32
      %mul3A_67 = arith.muli %add3A_65, %mul3A_66 : i32
      %get3A = arith.index_cast %mul3A_67 : i32 to index
      %get3A_68 = tpu.vector_load %arg7[%get3A] {strides = array<i32>} : memref<416xi32, #tpu.memory_space<vmem>>, vector<16xi32>,
      %mul3A_69 = arith.constant 16 : i32
      %mul3A_70 = arith.muli %add3A_65, %mul3A_69 : i32
      %get3A_71 = arith.index_cast %mul3A_70 : i32 to index
      %get3A_72 = tpu.vector_load %arg8[%get3A_71] {strides = array<i32>} : memref<416xi32, #tpu.memory_space<vmem>>, vector<16xi32>,
      %add3A_73 = arith.constant 16 : i32
      %add3A_74 = vector.broadcast %add3A_73 : i32 to vector<16xi32>
      %add3A_75 = arith.addi %add3A_74, %get3A_68 : vector<16xi32>
      %gather3A = tpu.vector_load_idx %arg4[%add3A_75, %get3A_72] : memref<512x26xi32, #tpu.memory_space<vmem>>[vector<16xi32>, vector<16xi32>], vector<16xi32>,
      %mul3A_76 = arith.constant 64 : i32
      %mul3A_77 = vector.broadcast %mul3A_76 : i32 to vector<16xi32>
      %mul3A_78 = arith.muli %get3A_72, %mul3A_77 : vector<16xi32>
      %add3A_79 = arith.addi %mul3A_78, %gather3A : vector<16xi32>
      tpu.vector_store_idx %arg6[%get3A_68, %add3A_79], %broadcast_in_dim3A_6 : memref<16x1664xi32, #tpu.memory_space<vmem>>[vector<16xi32>, vector<16xi32>], vector<16xi32>,
      %mul3A_80 = arith.constant 2 : i32
      %mul3A_81 = arith.muli %mul3A_80, %scan3A_61 : i32
      %add3A_82 = arith.constant 1 : i32
      %add3A_83 = arith.addi %mul3A_81, %add3A_82 : i32
      %mul3A_84 = arith.constant 16 : i32
      %mul3A_85 = arith.muli %add3A_83, %mul3A_84 : i32
      %get3A_86 = arith.index_cast %mul3A_85 : i32 to index
      %get3A_87 = tpu.vector_load %arg7[%get3A_86] {strides = array<i32>} : memref<416xi32, #tpu.memory_space<vmem>>, vector<16xi32>,
      %mul3A_88 = arith.constant 16 : i32
      %mul3A_89 = arith.muli %add3A_83, %mul3A_88 : i32
      %get3A_90 = arith.index_cast %mul3A_89 : i32 to index
      %get3A_91 = tpu.vector_load %arg8[%get3A_90] {strides = array<i32>} : memref<416xi32, #tpu.memory_space<vmem>>, vector<16xi32>,
      %add3A_92 = arith.constant 16 : i32
      %add3A_93 = vector.broadcast %add3A_92 : i32 to vector<16xi32>
      %add3A_94 = arith.addi %add3A_93, %get3A_87 : vector<16xi32>
      %gather3A_95 = tpu.vector_load_idx %arg4[%add3A_94, %get3A_91] : memref<512x26xi32, #tpu.memory_space<vmem>>[vector<16xi32>, vector<16xi32>], vector<16xi32>,
      %mul3A_96 = arith.constant 64 : i32
      %mul3A_97 = vector.broadcast %mul3A_96 : i32 to vector<16xi32>
      %mul3A_98 = arith.muli %get3A_91, %mul3A_97 : vector<16xi32>
      %add3A_99 = arith.addi %mul3A_98, %gather3A_95 : vector<16xi32>
      tpu.vector_store_idx %arg6[%get3A_87, %add3A_99], %broadcast_in_dim3A_6 : memref<16x1664xi32, #tpu.memory_space<vmem>>[vector<16xi32>, vector<16xi32>], vector<16xi32>,
    }
    %scan3A_40 = arith.constant 13 : i32
    %add3A_41 = arith.constant 16 : i32
    %add3A_42 = arith.addi %mul3A_2, %add3A_41 : i32
    %dma_start3A_43 = arith.constant 0 : i32
    %dma_start3A_44 = tpu.memref_slice %arg3[%add3A_42, %dma_start3A_43] : memref<16384x1664xi32, #tpu.memory_space<hbm>> -> memref<16x1664xi32, #tpu.memory_space<hbm>>
    %dma_start3A_45 = arith.constant 0 : i32
    %dma_start3A_46 = tpu.memref_slice %arg3[%add3A_42, %dma_start3A_45] : memref<16384x1664xi32, #tpu.memory_space<hbm>> -> memref<16x1664xi32, #tpu.memory_space<hbm>>
    tpu.enqueue_dma source(%arg6 : memref<16x1664xi32, #tpu.memory_space<vmem>>) target(%dma_start3A_46 : memref<16x1664xi32, #tpu.memory_space<hbm>>) target_semaphore(%arg10 : memref<!tpu.dma_semaphore, #tpu.memory_space<semaphore_mem>>)
    %scan3A_47 = arith.constant 0 : i32
    %scan3A_48 = arith.constant 1 : i32
    %scan3A_49 = arith.constant 15 : i32
    %scan3A_50 = arith.addi %scan3A_48, %scan3A_49 : i32
    %scan3A_51 = arith.constant 1 : i32
    scf.for %scan3A_61 = %scan3A_48 to %scan3A_50 step %scan3A_51  : i32 {
      %mul3A_62 = arith.constant 2 : i32
      %mul3A_63 = arith.muli %mul3A_62, %scan3A_61 : i32
      %add3A_64 = arith.constant 0 : i32
      %add3A_65 = arith.addi %mul3A_63, %add3A_64 : i32
      %dma_wait3A_66 = arith.constant 0 : i32
      %dma_wait3A_67 = tpu.memref_slice %arg3[%mul3A_2, %dma_wait3A_66] : memref<16384x1664xi32, #tpu.memory_space<hbm>> -> memref<16x1664xi32, #tpu.memory_space<hbm>>
      %dma_wait3A_68 = arith.constant 0 : i32
      %dma_wait3A_69 = tpu.memref_slice %arg3[%mul3A_2, %dma_wait3A_68] : memref<16384x1664xi32, #tpu.memory_space<hbm>> -> memref<16x1664xi32, #tpu.memory_space<hbm>>
      tpu.wait_dma2 semaphore(%arg9 : memref<!tpu.dma_semaphore, #tpu.memory_space<semaphore_mem>>) src(%arg5 : memref<16x1664xi32, #tpu.memory_space<vmem>>) dst(%dma_wait3A_69 : memref<16x1664xi32, #tpu.memory_space<hbm>>)
      %sub3A = arith.constant 2 : i32
      %sub3A_70 = arith.subi %add3A_65, %sub3A : i32
      %mul3A_71 = arith.constant 16 : i32
      %mul3A_72 = arith.muli %sub3A_70, %mul3A_71 : i32
      %scan3A_73 = arith.constant 0 : i32
      %scan3A_74 = arith.constant 0 : i32
      %scan3A_75 = arith.constant 13 : i32
      %scan3A_76 = arith.addi %scan3A_74, %scan3A_75 : i32
      %scan3A_77 = arith.constant 1 : i32
      scf.for %scan3A_127 = %scan3A_74 to %scan3A_76 step %scan3A_77  : i32 {
        %mul3A_128 = arith.constant 2 : i32
        %mul3A_129 = arith.muli %mul3A_128, %scan3A_127 : i32
        %add3A_130 = arith.constant 0 : i32
        %add3A_131 = arith.addi %mul3A_129, %add3A_130 : i32
        %mul3A_132 = arith.constant 16 : i32
        %mul3A_133 = arith.muli %add3A_131, %mul3A_132 : i32
        %get3A = arith.index_cast %mul3A_133 : i32 to index
        %get3A_134 = tpu.vector_load %arg7[%get3A] {strides = array<i32>} : memref<416xi32, #tpu.memory_space<vmem>>, vector<16xi32>,
        %mul3A_135 = arith.constant 16 : i32
        %mul3A_136 = arith.muli %add3A_131, %mul3A_135 : i32
        %get3A_137 = arith.index_cast %mul3A_136 : i32 to index
        %get3A_138 = tpu.vector_load %arg8[%get3A_137] {strides = array<i32>} : memref<416xi32, #tpu.memory_space<vmem>>, vector<16xi32>,
        %add3A_139 = vector.broadcast %mul3A_72 : i32 to vector<16xi32>
        %add3A_140 = arith.addi %add3A_139, %get3A_134 : vector<16xi32>
        %gather3A = tpu.vector_load_idx %arg4[%add3A_140, %get3A_138] : memref<512x26xi32, #tpu.memory_space<vmem>>[vector<16xi32>, vector<16xi32>], vector<16xi32>,
        %mul3A_141 = arith.constant 64 : i32
        %mul3A_142 = vector.broadcast %mul3A_141 : i32 to vector<16xi32>
        %mul3A_143 = arith.muli %get3A_138, %mul3A_142 : vector<16xi32>
        %add3A_144 = arith.addi %mul3A_143, %gather3A : vector<16xi32>
        tpu.vector_store_idx %arg5[%get3A_134, %add3A_144], %broadcast_in_dim3A_8 : memref<16x1664xi32, #tpu.memory_space<vmem>>[vector<16xi32>, vector<16xi32>], vector<16xi32>,
        %mul3A_145 = arith.constant 2 : i32
        %mul3A_146 = arith.muli %mul3A_145, %scan3A_127 : i32
        %add3A_147 = arith.constant 1 : i32
        %add3A_148 = arith.addi %mul3A_146, %add3A_147 : i32
        %mul3A_149 = arith.constant 16 : i32
        %mul3A_150 = arith.muli %add3A_148, %mul3A_149 : i32
        %get3A_151 = arith.index_cast %mul3A_150 : i32 to index
        %get3A_152 = tpu.vector_load %arg7[%get3A_151] {strides = array<i32>} : memref<416xi32, #tpu.memory_space<vmem>>, vector<16xi32>,
        %mul3A_153 = arith.constant 16 : i32
        %mul3A_154 = arith.muli %add3A_148, %mul3A_153 : i32
        %get3A_155 = arith.index_cast %mul3A_154 : i32 to index
        %get3A_156 = tpu.vector_load %arg8[%get3A_155] {strides = array<i32>} : memref<416xi32, #tpu.memory_space<vmem>>, vector<16xi32>,
        %add3A_157 = vector.broadcast %mul3A_72 : i32 to vector<16xi32>
        %add3A_158 = arith.addi %add3A_157, %get3A_152 : vector<16xi32>
        %gather3A_159 = tpu.vector_load_idx %arg4[%add3A_158, %get3A_156] : memref<512x26xi32, #tpu.memory_space<vmem>>[vector<16xi32>, vector<16xi32>], vector<16xi32>,
        %mul3A_160 = arith.constant 64 : i32
        %mul3A_161 = vector.broadcast %mul3A_160 : i32 to vector<16xi32>
        %mul3A_162 = arith.muli %get3A_156, %mul3A_161 : vector<16xi32>
        %add3A_163 = arith.addi %mul3A_162, %gather3A_159 : vector<16xi32>
        tpu.vector_store_idx %arg5[%get3A_152, %add3A_163], %broadcast_in_dim3A_8 : memref<16x1664xi32, #tpu.memory_space<vmem>>[vector<16xi32>, vector<16xi32>], vector<16xi32>,
      }
      %scan3A_78 = arith.constant 13 : i32
      %mul3A_79 = arith.constant 16 : i32
      %mul3A_80 = arith.muli %add3A_65, %mul3A_79 : i32
      %scan3A_81 = arith.constant 0 : i32
      %scan3A_82 = arith.constant 0 : i32
      %scan3A_83 = arith.constant 13 : i32
      %scan3A_84 = arith.addi %scan3A_82, %scan3A_83 : i32
      %scan3A_85 = arith.constant 1 : i32
      scf.for %scan3A_127 = %scan3A_82 to %scan3A_84 step %scan3A_85  : i32 {
        %mul3A_128 = arith.constant 2 : i32
        %mul3A_129 = arith.muli %mul3A_128, %scan3A_127 : i32
        %add3A_130 = arith.constant 0 : i32
        %add3A_131 = arith.addi %mul3A_129, %add3A_130 : i32
        %mul3A_132 = arith.constant 16 : i32
        %mul3A_133 = arith.muli %add3A_131, %mul3A_132 : i32
        %get3A = arith.index_cast %mul3A_133 : i32 to index
        %get3A_134 = tpu.vector_load %arg7[%get3A] {strides = array<i32>} : memref<416xi32, #tpu.memory_space<vmem>>, vector<16xi32>,
        %mul3A_135 = arith.constant 16 : i32
        %mul3A_136 = arith.muli %add3A_131, %mul3A_135 : i32
        %get3A_137 = arith.index_cast %mul3A_136 : i32 to index
        %get3A_138 = tpu.vector_load %arg8[%get3A_137] {strides = array<i32>} : memref<416xi32, #tpu.memory_space<vmem>>, vector<16xi32>,
        %add3A_139 = vector.broadcast %mul3A_80 : i32 to vector<16xi32>
        %add3A_140 = arith.addi %add3A_139, %get3A_134 : vector<16xi32>
        %gather3A = tpu.vector_load_idx %arg4[%add3A_140, %get3A_138] : memref<512x26xi32, #tpu.memory_space<vmem>>[vector<16xi32>, vector<16xi32>], vector<16xi32>,
        %mul3A_141 = arith.constant 64 : i32
        %mul3A_142 = vector.broadcast %mul3A_141 : i32 to vector<16xi32>
        %mul3A_143 = arith.muli %get3A_138, %mul3A_142 : vector<16xi32>
        %add3A_144 = arith.addi %mul3A_143, %gather3A : vector<16xi32>
        tpu.vector_store_idx %arg5[%get3A_134, %add3A_144], %broadcast_in_dim3A_6 : memref<16x1664xi32, #tpu.memory_space<vmem>>[vector<16xi32>, vector<16xi32>], vector<16xi32>,
        %mul3A_145 = arith.constant 2 : i32
        %mul3A_146 = arith.muli %mul3A_145, %scan3A_127 : i32
        %add3A_147 = arith.constant 1 : i32
        %add3A_148 = arith.addi %mul3A_146, %add3A_147 : i32
        %mul3A_149 = arith.constant 16 : i32
        %mul3A_150 = arith.muli %add3A_148, %mul3A_149 : i32
        %get3A_151 = arith.index_cast %mul3A_150 : i32 to index
        %get3A_152 = tpu.vector_load %arg7[%get3A_151] {strides = array<i32>} : memref<416xi32, #tpu.memory_space<vmem>>, vector<16xi32>,
        %mul3A_153 = arith.constant 16 : i32
        %mul3A_154 = arith.muli %add3A_148, %mul3A_153 : i32
        %get3A_155 = arith.index_cast %mul3A_154 : i32 to index
        %get3A_156 = tpu.vector_load %arg8[%get3A_155] {strides = array<i32>} : memref<416xi32, #tpu.memory_space<vmem>>, vector<16xi32>,
        %add3A_157 = vector.broadcast %mul3A_80 : i32 to vector<16xi32>
        %add3A_158 = arith.addi %add3A_157, %get3A_152 : vector<16xi32>
        %gather3A_159 = tpu.vector_load_idx %arg4[%add3A_158, %get3A_156] : memref<512x26xi32, #tpu.memory_space<vmem>>[vector<16xi32>, vector<16xi32>], vector<16xi32>,
        %mul3A_160 = arith.constant 64 : i32
        %mul3A_161 = vector.broadcast %mul3A_160 : i32 to vector<16xi32>
        %mul3A_162 = arith.muli %get3A_156, %mul3A_161 : vector<16xi32>
        %add3A_163 = arith.addi %mul3A_162, %gather3A_159 : vector<16xi32>
        tpu.vector_store_idx %arg5[%get3A_152, %add3A_163], %broadcast_in_dim3A_6 : memref<16x1664xi32, #tpu.memory_space<vmem>>[vector<16xi32>, vector<16xi32>], vector<16xi32>,
      }
      %scan3A_86 = arith.constant 13 : i32
      %mul3A_87 = arith.constant 16 : i32
      %mul3A_88 = arith.muli %add3A_65, %mul3A_87 : i32
      %add3A_89 = arith.addi %mul3A_2, %mul3A_88 : i32
      %dma_start3A_90 = arith.constant 0 : i32
      %dma_start3A_91 = tpu.memref_slice %arg3[%add3A_89, %dma_start3A_90] : memref<16384x1664xi32, #tpu.memory_space<hbm>> -> memref<16x1664xi32, #tpu.memory_space<hbm>>
      %dma_start3A_92 = arith.constant 0 : i32
      %dma_start3A_93 = tpu.memref_slice %arg3[%add3A_89, %dma_start3A_92] : memref<16384x1664xi32, #tpu.memory_space<hbm>> -> memref<16x1664xi32, #tpu.memory_space<hbm>>
      tpu.enqueue_dma source(%arg5 : memref<16x1664xi32, #tpu.memory_space<vmem>>) target(%dma_start3A_93 : memref<16x1664xi32, #tpu.memory_space<hbm>>) target_semaphore(%arg9 : memref<!tpu.dma_semaphore, #tpu.memory_space<semaphore_mem>>)
      %mul3A_94 = arith.constant 2 : i32
      %mul3A_95 = arith.muli %mul3A_94, %scan3A_61 : i32
      %add3A_96 = arith.constant 1 : i32
      %add3A_97 = arith.addi %mul3A_95, %add3A_96 : i32
      %dma_wait3A_98 = arith.constant 0 : i32
      %dma_wait3A_99 = tpu.memref_slice %arg3[%mul3A_2, %dma_wait3A_98] : memref<16384x1664xi32, #tpu.memory_space<hbm>> -> memref<16x1664xi32, #tpu.memory_space<hbm>>
      %dma_wait3A_100 = arith.constant 0 : i32
      %dma_wait3A_101 = tpu.memref_slice %arg3[%mul3A_2, %dma_wait3A_100] : memref<16384x1664xi32, #tpu.memory_space<hbm>> -> memref<16x1664xi32, #tpu.memory_space<hbm>>
      tpu.wait_dma2 semaphore(%arg10 : memref<!tpu.dma_semaphore, #tpu.memory_space<semaphore_mem>>) src(%arg6 : memref<16x1664xi32, #tpu.memory_space<vmem>>) dst(%dma_wait3A_101 : memref<16x1664xi32, #tpu.memory_space<hbm>>)
      %sub3A_102 = arith.constant 2 : i32
      %sub3A_103 = arith.subi %add3A_97, %sub3A_102 : i32
      %mul3A_104 = arith.constant 16 : i32
      %mul3A_105 = arith.muli %sub3A_103, %mul3A_104 : i32
      %scan3A_106 = arith.constant 0 : i32
      %scan3A_107 = arith.constant 0 : i32
      %scan3A_108 = arith.constant 13 : i32
      %scan3A_109 = arith.addi %scan3A_107, %scan3A_108 : i32
      %scan3A_110 = arith.constant 1 : i32
      scf.for %scan3A_127 = %scan3A_107 to %scan3A_109 step %scan3A_110  : i32 {
        %mul3A_128 = arith.constant 2 : i32
        %mul3A_129 = arith.muli %mul3A_128, %scan3A_127 : i32
        %add3A_130 = arith.constant 0 : i32
        %add3A_131 = arith.addi %mul3A_129, %add3A_130 : i32
        %mul3A_132 = arith.constant 16 : i32
        %mul3A_133 = arith.muli %add3A_131, %mul3A_132 : i32
        %get3A = arith.index_cast %mul3A_133 : i32 to index
        %get3A_134 = tpu.vector_load %arg7[%get3A] {strides = array<i32>} : memref<416xi32, #tpu.memory_space<vmem>>, vector<16xi32>,
        %mul3A_135 = arith.constant 16 : i32
        %mul3A_136 = arith.muli %add3A_131, %mul3A_135 : i32
        %get3A_137 = arith.index_cast %mul3A_136 : i32 to index
        %get3A_138 = tpu.vector_load %arg8[%get3A_137] {strides = array<i32>} : memref<416xi32, #tpu.memory_space<vmem>>, vector<16xi32>,
        %add3A_139 = vector.broadcast %mul3A_105 : i32 to vector<16xi32>
        %add3A_140 = arith.addi %add3A_139, %get3A_134 : vector<16xi32>
        %gather3A = tpu.vector_load_idx %arg4[%add3A_140, %get3A_138] : memref<512x26xi32, #tpu.memory_space<vmem>>[vector<16xi32>, vector<16xi32>], vector<16xi32>,
        %mul3A_141 = arith.constant 64 : i32
        %mul3A_142 = vector.broadcast %mul3A_141 : i32 to vector<16xi32>
        %mul3A_143 = arith.muli %get3A_138, %mul3A_142 : vector<16xi32>
        %add3A_144 = arith.addi %mul3A_143, %gather3A : vector<16xi32>
        tpu.vector_store_idx %arg6[%get3A_134, %add3A_144], %broadcast_in_dim3A_8 : memref<16x1664xi32, #tpu.memory_space<vmem>>[vector<16xi32>, vector<16xi32>], vector<16xi32>,
        %mul3A_145 = arith.constant 2 : i32
        %mul3A_146 = arith.muli %mul3A_145, %scan3A_127 : i32
        %add3A_147 = arith.constant 1 : i32
        %add3A_148 = arith.addi %mul3A_146, %add3A_147 : i32
        %mul3A_149 = arith.constant 16 : i32
        %mul3A_150 = arith.muli %add3A_148, %mul3A_149 : i32
        %get3A_151 = arith.index_cast %mul3A_150 : i32 to index
        %get3A_152 = tpu.vector_load %arg7[%get3A_151] {strides = array<i32>} : memref<416xi32, #tpu.memory_space<vmem>>, vector<16xi32>,
        %mul3A_153 = arith.constant 16 : i32
        %mul3A_154 = arith.muli %add3A_148, %mul3A_153 : i32
        %get3A_155 = arith.index_cast %mul3A_154 : i32 to index
        %get3A_156 = tpu.vector_load %arg8[%get3A_155] {strides = array<i32>} : memref<416xi32, #tpu.memory_space<vmem>>, vector<16xi32>,
        %add3A_157 = vector.broadcast %mul3A_105 : i32 to vector<16xi32>
        %add3A_158 = arith.addi %add3A_157, %get3A_152 : vector<16xi32>
        %gather3A_159 = tpu.vector_load_idx %arg4[%add3A_158, %get3A_156] : memref<512x26xi32, #tpu.memory_space<vmem>>[vector<16xi32>, vector<16xi32>], vector<16xi32>,
        %mul3A_160 = arith.constant 64 : i32
        %mul3A_161 = vector.broadcast %mul3A_160 : i32 to vector<16xi32>
        %mul3A_162 = arith.muli %get3A_156, %mul3A_161 : vector<16xi32>
        %add3A_163 = arith.addi %mul3A_162, %gather3A_159 : vector<16xi32>
        tpu.vector_store_idx %arg6[%get3A_152, %add3A_163], %broadcast_in_dim3A_8 : memref<16x1664xi32, #tpu.memory_space<vmem>>[vector<16xi32>, vector<16xi32>], vector<16xi32>,
      }
      %scan3A_111 = arith.constant 13 : i32
      %mul3A_112 = arith.constant 16 : i32
      %mul3A_113 = arith.muli %add3A_97, %mul3A_112 : i32
      %scan3A_114 = arith.constant 0 : i32
      %scan3A_115 = arith.constant 0 : i32
      %scan3A_116 = arith.constant 13 : i32
      %scan3A_117 = arith.addi %scan3A_115, %scan3A_116 : i32
      %scan3A_118 = arith.constant 1 : i32
      scf.for %scan3A_127 = %scan3A_115 to %scan3A_117 step %scan3A_118  : i32 {
        %mul3A_128 = arith.constant 2 : i32
        %mul3A_129 = arith.muli %mul3A_128, %scan3A_127 : i32
        %add3A_130 = arith.constant 0 : i32
        %add3A_131 = arith.addi %mul3A_129, %add3A_130 : i32
        %mul3A_132 = arith.constant 16 : i32
        %mul3A_133 = arith.muli %add3A_131, %mul3A_132 : i32
        %get3A = arith.index_cast %mul3A_133 : i32 to index
        %get3A_134 = tpu.vector_load %arg7[%get3A] {strides = array<i32>} : memref<416xi32, #tpu.memory_space<vmem>>, vector<16xi32>,
        %mul3A_135 = arith.constant 16 : i32
        %mul3A_136 = arith.muli %add3A_131, %mul3A_135 : i32
        %get3A_137 = arith.index_cast %mul3A_136 : i32 to index
        %get3A_138 = tpu.vector_load %arg8[%get3A_137] {strides = array<i32>} : memref<416xi32, #tpu.memory_space<vmem>>, vector<16xi32>,
        %add3A_139 = vector.broadcast %mul3A_113 : i32 to vector<16xi32>
        %add3A_140 = arith.addi %add3A_139, %get3A_134 : vector<16xi32>
        %gather3A = tpu.vector_load_idx %arg4[%add3A_140, %get3A_138] : memref<512x26xi32, #tpu.memory_space<vmem>>[vector<16xi32>, vector<16xi32>], vector<16xi32>,
        %mul3A_141 = arith.constant 64 : i32
        %mul3A_142 = vector.broadcast %mul3A_141 : i32 to vector<16xi32>
        %mul3A_143 = arith.muli %get3A_138, %mul3A_142 : vector<16xi32>
        %add3A_144 = arith.addi %mul3A_143, %gather3A : vector<16xi32>
        tpu.vector_store_idx %arg6[%get3A_134, %add3A_144], %broadcast_in_dim3A_6 : memref<16x1664xi32, #tpu.memory_space<vmem>>[vector<16xi32>, vector<16xi32>], vector<16xi32>,
        %mul3A_145 = arith.constant 2 : i32
        %mul3A_146 = arith.muli %mul3A_145, %scan3A_127 : i32
        %add3A_147 = arith.constant 1 : i32
        %add3A_148 = arith.addi %mul3A_146, %add3A_147 : i32
        %mul3A_149 = arith.constant 16 : i32
        %mul3A_150 = arith.muli %add3A_148, %mul3A_149 : i32
        %get3A_151 = arith.index_cast %mul3A_150 : i32 to index
        %get3A_152 = tpu.vector_load %arg7[%get3A_151] {strides = array<i32>} : memref<416xi32, #tpu.memory_space<vmem>>, vector<16xi32>,
        %mul3A_153 = arith.constant 16 : i32
        %mul3A_154 = arith.muli %add3A_148, %mul3A_153 : i32
        %get3A_155 = arith.index_cast %mul3A_154 : i32 to index
        %get3A_156 = tpu.vector_load %arg8[%get3A_155] {strides = array<i32>} : memref<416xi32, #tpu.memory_space<vmem>>, vector<16xi32>,
        %add3A_157 = vector.broadcast %mul3A_113 : i32 to vector<16xi32>
        %add3A_158 = arith.addi %add3A_157, %get3A_152 : vector<16xi32>
        %gather3A_159 = tpu.vector_load_idx %arg4[%add3A_158, %get3A_156] : memref<512x26xi32, #tpu.memory_space<vmem>>[vector<16xi32>, vector<16xi32>], vector<16xi32>,
        %mul3A_160 = arith.constant 64 : i32
        %mul3A_161 = vector.broadcast %mul3A_160 : i32 to vector<16xi32>
        %mul3A_162 = arith.muli %get3A_156, %mul3A_161 : vector<16xi32>
        %add3A_163 = arith.addi %mul3A_162, %gather3A_159 : vector<16xi32>
        tpu.vector_store_idx %arg6[%get3A_152, %add3A_163], %broadcast_in_dim3A_6 : memref<16x1664xi32, #tpu.memory_space<vmem>>[vector<16xi32>, vector<16xi32>], vector<16xi32>,
      }
      %scan3A_119 = arith.constant 13 : i32
      %mul3A_120 = arith.constant 16 : i32
      %mul3A_121 = arith.muli %add3A_97, %mul3A_120 : i32
      %add3A_122 = arith.addi %mul3A_2, %mul3A_121 : i32
      %dma_start3A_123 = arith.constant 0 : i32
      %dma_start3A_124 = tpu.memref_slice %arg3[%add3A_122, %dma_start3A_123] : memref<16384x1664xi32, #tpu.memory_space<hbm>> -> memref<16x1664xi32, #tpu.memory_space<hbm>>
      %dma_start3A_125 = arith.constant 0 : i32
      %dma_start3A_126 = tpu.memref_slice %arg3[%add3A_122, %dma_start3A_125] : memref<16384x1664xi32, #tpu.memory_space<hbm>> -> memref<16x1664xi32, #tpu.memory_space<hbm>>
      tpu.enqueue_dma source(%arg6 : memref<16x1664xi32, #tpu.memory_space<vmem>>) target(%dma_start3A_126 : memref<16x1664xi32, #tpu.memory_space<hbm>>) target_semaphore(%arg10 : memref<!tpu.dma_semaphore, #tpu.memory_space<semaphore_mem>>)
    }
    %scan3A_52 = arith.constant 15 : i32
    %dma_wait3A_53 = arith.constant 0 : i32
    %dma_wait3A_54 = tpu.memref_slice %arg3[%mul3A_2, %dma_wait3A_53] : memref<16384x1664xi32, #tpu.memory_space<hbm>> -> memref<16x1664xi32, #tpu.memory_space<hbm>>
    %dma_wait3A_55 = arith.constant 0 : i32
    %dma_wait3A_56 = tpu.memref_slice %arg3[%mul3A_2, %dma_wait3A_55] : memref<16384x1664xi32, #tpu.memory_space<hbm>> -> memref<16x1664xi32, #tpu.memory_space<hbm>>
    tpu.wait_dma2 semaphore(%arg9 : memref<!tpu.dma_semaphore, #tpu.memory_space<semaphore_mem>>) src(%arg5 : memref<16x1664xi32, #tpu.memory_space<vmem>>) dst(%dma_wait3A_56 : memref<16x1664xi32, #tpu.memory_space<hbm>>)
    %dma_wait3A_57 = arith.constant 0 : i32
    %dma_wait3A_58 = tpu.memref_slice %arg3[%mul3A_2, %dma_wait3A_57] : memref<16384x1664xi32, #tpu.memory_space<hbm>> -> memref<16x1664xi32, #tpu.memory_space<hbm>>
    %dma_wait3A_59 = arith.constant 0 : i32
    %dma_wait3A_60 = tpu.memref_slice %arg3[%mul3A_2, %dma_wait3A_59] : memref<16384x1664xi32, #tpu.memory_space<hbm>> -> memref<16x1664xi32, #tpu.memory_space<hbm>>
    tpu.wait_dma2 semaphore(%arg10 : memref<!tpu.dma_semaphore, #tpu.memory_space<semaphore_mem>>) src(%arg6 : memref<16x1664xi32, #tpu.memory_space<vmem>>) dst(%dma_wait3A_60 : memref<16x1664xi32, #tpu.memory_space<hbm>>)
    return
  }
}

</mosaic_0001>

<sc_bundles>
// kernel: _onehot.3.cloned.1.call-start
scs
__scs_entry_jumppad:
0x0: {  	(pc) =	sbr.rel $0x88, $3  }
0x1: {  	(tag) =	ssettag $0x0;
	lr =	simm.s32 $0x1  }
0x2: {  	[smem:$0x3FA0] =	sst lr;
	_ =	strace $0xD0000000  }
0x3: {  	_ = 	snop  }
0x4: {  	_ = 	snop  }
0x5: {  	_ = 	snop  }
0x6: {  	_ = 	snop  }
0x7: {  	_ = 	snop  }
__scs_overlays_trampoline_lowered:
0x8: {  	[smem:$0x3FAF] =	sst s0  }
0x9: {  	[smem:$0x3FB0] =	sst s1  }
0xa: {  	[smem:$0x3FB1] =	sst s2  }
0xb: {  	[smem:$0x3FB2] =	sst s3  }
0xc: {  	[smem:$0x3FB3] =	sst s4  }
0xd: {  	[smem:$0x3FB4] =	sst s5  }
0xe: {  	[smem:$0x3FB5] =	sst s6  }
0xf: {  	[smem:$0x3FB6] =	sst s7  }
0x10: {  	[smem:$0x3FB7] =	sst s8  }
0x11: {  	[smem:$0x3FB8] =	sst s9;
	s0 =	simm.s32 @!p0 $0x0  }
0x12: {  	s1 =	sld [smem:$0x3F9E];
	s0 =	simm.s32 @p0 $0x1  }
0x13: {  	[smem:$0x3FB9] =	sst s0;
	s0 =	simm.s32 @!p1 $0x0  }
0x14: {  	s2 =	sld [smem:$0x3F9D];
	s0 =	simm.s32 @p1 $0x1  }
0x15: {  	[smem:$0x3FBA] =	sst s0;
	s0 =	simm.s32 @!p2 $0x0  }
0x16: {  	s3 =	sld [smem:$0x3FDB];
	s0 =	simm.s32 @p2 $0x1  }
0x17: {  	s4 =	simm.s32 $0x1BF5;
	[smem:$0x3FBC] =	sst s0  }
0x18: {  	s0 =	sld [smem:$0x3F9F];
	_ =	swait.ge [sflag:s4], $0x0  }
0x19: {  	s7 =	sld [smem:$0x3FA0]  }
0x1a: {  	s8 =	sadd.s32 $0xFFFFE003, lr  }
0x1b: {  	s9 =	sadd.s32 $0xFFFFFEF7, lr;
	s5 =	simm.s32 $0xFFFFFFFF;
	p2 =	slt.u32 s8, $0xFFFFF086  }
0x1c: {  	p1 =	slt.u32 s9, $0xF7A;
	s5 =	simm.s32 @!p2 $0x0  }
0x1d: {  	s5 =	simm.s32 @p1 $0x1;
	p0 =	seq.s32 s7, s2  }
0x1e: {  	s7 =	smul.u32 @!p0 $0xF7A, s2;
	p2 =	seq.s32 @!p0 s5, $0x0  }
0x1f: {  	s9 =	smul.u32 $0xF7A, s1;
	s8 =	simm.s32 @!p0 $0x1BF5;
	p2 =	por !p2, p0  }
0x20: {  	[sflag:s8] =	ssyncset.s32 @!p0 $0xFFFFF086;
	s6 =	sadd.s32 @!p0 s3, s7;
	s7 =	simm.s32 @!p0 $0x108  }
0x21: {  	s3 =	sadd.s32 s3, s9;
	s6 =	sadd.s32 @!p0 $0x88, s6;
	s7 =	simm.s32 @p2 $0x1082  }
0x22: {  	[simem:s7], [sflag:s8] =	dma.local @!p0 [hbm:s6], $0xF7A  }
0x23: {  	s9 =	sor.u32 $0xD0000000, s2;
	s6 =	simm.s32 $0x108;
	_ =	swait.ge @!p0 [sflag:s8], $0x0  }
0x24: {  	s3 =	sadd.s32 $0x88, s3;
	s6 =	simm.s32 @!p1 $0x1082;
	[sflag:s4] =	ssyncset.s32 $0xFFFFF086  }
0x25: {  	[simem:s6], [sflag:s4] =	dma.local [hbm:s3], $0xF7A  }
0x26: {  	[smem:$0x3FA0] =	sst s1;
	(tag) =	ssettag s2;
	_ =	strace s9  }
0x27: {  	s1 =	sld [smem:$0x3FB0]  }
0x28: {  	s2 =	sld [smem:$0x3FB1]  }
0x29: {  	s4 =	sld [smem:$0x3FB3]  }
0x2a: {  	p0 =	seq.s32 s5, $0x0;
	s5 =	sld [smem:$0x3FB4]  }
0x2b: {  	s6 =	sld [smem:$0x3FB5]  }
0x2c: {  	s7 =	sld [smem:$0x3FB6]  }
0x2d: {  	s3 =	simm.s32 $0x108;
	s8 =	sld [smem:$0x3FB7]  }
0x2e: {  	s3 =	simm.s32 @!p0 $0x1082;
	s9 =	sld [smem:$0x3FB8]  }
0x2f: {  	lr =	sadd.s32 s0, s3;
	s0 =	sld [smem:$0x3FAF]  }
0x30: {  	s3 =	sld [smem:$0x3FB2]  }
0x31: {  	[smem:$0x3FBB] =	sst s10  }
0x32: {  	s10 =	sld [smem:$0x3FB9];
	_ =	sdelay $0x3  }
0x33: {  	p0 =	seq.s32 s10, $0x1;
	s10 =	sld [smem:$0x3FBB];
	_ =	sdelay $0x3  }
0x34: {  	[smem:$0x3FBB] =	sst s10  }
0x35: {  	s10 =	sld [smem:$0x3FBA];
	_ =	sdelay $0x3  }
0x36: {  	p1 =	seq.s32 s10, $0x1;
	s10 =	sld [smem:$0x3FBB];
	_ =	sdelay $0x3  }
0x37: {  	[smem:$0x3FBB] =	sst s10  }
0x38: {  	s10 =	sld [smem:$0x3FBC]  }
0x39: {  	_ = 	snop;
	(pc) =	sbr.ind lr, $3  }
0x3a: {  	_ = 	snop  }
0x3b: {  	_ = 	snop  }
0x3c: {  	p2 =	seq.s32 s10, $0x1;
	s10 =	sld [smem:$0x3FBB]  }
0x3d: {  	_ =	shalt  }
0x3e: {  	_ =	shalt  }
0x3f: {  	_ =	shalt  }
0x40: {  	_ =	shalt  }
0x41: {  	_ =	shalt  }
0x42: {  	_ =	shalt  }
0x43: {  	_ =	shalt  }
0x44: {  	_ =	shalt  }
0x45: {  	_ =	shalt  }
0x46: {  	_ =	shalt  }
0x47: {  	_ =	shalt  }
0x48: {  	_ =	shalt  }
0x49: {  	_ =	shalt  }
0x4a: {  	_ =	shalt  }
0x4b: {  	_ =	shalt  }
0x4c: {  	_ =	shalt  }
0x4d: {  	_ =	shalt  }
0x4e: {  	_ =	shalt  }
0x4f: {  	_ =	shalt  }
0x50: {  	_ =	shalt  }
0x51: {  	_ =	shalt  }
0x52: {  	_ =	shalt  }
0x53: {  	_ =	shalt  }
0x54: {  	_ =	shalt  }
0x55: {  	_ =	shalt  }
0x56: {  	_ =	shalt  }
0x57: {  	_ =	shalt  }
0x58: {  	_ =	shalt  }
0x59: {  	_ =	shalt  }
0x5a: {  	_ =	shalt  }
0x5b: {  	_ =	shalt  }
0x5c: {  	_ =	shalt  }
0x5d: {  	_ =	shalt  }
0x5e: {  	_ =	shalt  }
0x5f: {  	_ =	shalt  }
0x60: {  	_ =	shalt  }
0x61: {  	_ =	shalt  }
0x62: {  	_ =	shalt  }
0x63: {  	_ =	shalt  }
0x64: {  	_ =	shalt  }
0x65: {  	_ =	shalt  }
0x66: {  	_ =	shalt  }
0x67: {  	_ =	shalt  }
0x68: {  	_ =	shalt  }
0x69: {  	_ =	shalt  }
0x6a: {  	_ =	shalt  }
0x6b: {  	_ =	shalt  }
0x6c: {  	_ =	shalt  }
0x6d: {  	_ =	shalt  }
0x6e: {  	_ =	shalt  }
0x6f: {  	_ =	shalt  }
0x70: {  	_ =	shalt  }
0x71: {  	_ =	shalt  }
0x72: {  	_ =	shalt  }
0x73: {  	_ =	shalt  }
0x74: {  	_ =	shalt  }
0x75: {  	_ =	shalt  }
0x76: {  	_ =	shalt  }
0x77: {  	_ =	shalt  }
0x78: {  	_ =	shalt  }
0x79: {  	_ =	shalt  }
0x7a: {  	_ =	shalt  }
0x7b: {  	_ =	shalt  }
0x7c: {  	_ =	shalt  }
0x7d: {  	_ =	shalt  }
0x7e: {  	_ =	shalt  }
0x7f: {  	_ =	shalt  }
0x80: {  	_ =	shalt  }
0x81: {  	_ =	shalt  }
0x82: {  	_ =	shalt  }
0x83: {  	_ =	shalt  }
0x84: {  	_ =	shalt  }
0x85: {  	_ =	shalt  }
0x86: {  	_ =	shalt  }
0x87: {  	_ =	shalt  }
.Lfunc_end0:
.L_simem_size_0:
called_computation_lowered:
.L_overlay_start_0:
0x88: {  	s2 =	sld [smem:$0x3FD9]  }
0x89: {  	s3 =	sld [smem:$0x3FFE];
	_ =	sdelay $0x1  }
0x8a: {  	s1 =	srdreg.scid  }
0x8b: {  	s0 =	sand.u32 $0x1, s1  }
0x8c: {  	s17 =	sshll.u32 s0, $0xA;
	s2 =	sadd.s32 s3, s2  }
0x8d: {  	s2 =	sadd.s32 s2, s17  }
0x8e: {  	[smem:$0x3FC7] =	sst s2  }
0x8f: {  	_ = 	snop  }
0x90: {  	s2 =	sld [smem:$0x3FD0];
	(tm) =	ssettm $0x1  }
0x91: {  	s18 =	sld [smem:$0x3FFB];
	_ =	sdelay $0x3  }
0x92: {  	_ =	strace s18  }
0x93: {  	s3 =	sld [smem:$0x3FFC];
	_ =	sdelay $0x3  }
0x94: {  	_ =	strace s3  }
0x95: {  	s3 =	sld [smem:$0x3FFD];
	_ =	sdelay $0x3  }
0x96: {  	_ =	strace s3  }
0x97: {  	_ =	strace $0x8FFFFFFF  }
0x98: {  	s19 =	sld [smem:$0x3FDB];
	_ =	sdelay $0x1  }
0x99: {  	s4 =	simm.s32 $_scs_section_size  }
0x9a: {  	s5 =	simm.s32 $_size__tile_overlayer_lowered;
	s6 =	simm.s32 $_tile_overlayer_lowered  }
0x9b: {  	s22 =	simm.s32 $0x1BFF;
	s21 =	sshll.u32 s6, $0x1;
	s3 =	sadd.s32 s4, s19  }
0x9c: {  	s7 =	simm.s32 $0x0;
	s20 =	sshll.u32 s5, $0x1;
	s5 =	sadd.s32 s21, s3  }
0x9d: {  	[timem:s7], [sflag:s22] =	dma.local [hbm:s5], s20  }
0x9e: {  	_ =	swait.ge [sflag:s22], s20  }
0x9f: {  	s4 =	ssub.s32 $0x0, s20;
	[sflag:s22] =	ssyncset.done $0x0  }
0xa0: {  	[sflag:s22] =	ssyncadd.s32 s4;
	_ =	sdelay $0x1  }
0xa1: {  	s23 =	simm.s32 $0x1B8B  }
0xa2: {  	_ =	swait.ge [sflag:s23], $0x1  }
0xa3: {  	[sflag:s23] =	ssyncset.done $0x0  }
0xa4: {  	s25 =	simm.s32 $0x1B8E;
	s24 =	sld [smem:$0x3FFE];
	[sflag:s23] =	ssyncadd.s32 $0xFFFFFFFF  }
0xa5: {  	s26 =	simm.s32 $execute0_lowered;
	[smem:$0x3FD2] =	sst s25  }
0xa6: {  	s5 =	sshll.u32 s26, $0x1;
	_ =	strace $0x80000046;
	[dreg:$0x1] =	wrdreg $0xFFFFFFFF  }
0xa7: {  	s28 =	simm.s32 $_size_execute0_lowered;
	s3 =	sadd.s32 s3, s5;
	[dreg:$0x0] =	wrdreg $0x0  }
0xa8: {  	s5 =	sshll.u32 s28, $0x1;
	[dreg:$0x2] =	wrdreg s3  }
0xa9: {  	[dreg:$0x3] =	wrdreg s5  }
0xaa: {  	[dreg:$0x4] =	wrdreg $0xC0  }
0xab: {  	_ =	task [dreg:s7], $0x5FFFF  }
0xac: {  	[dreg:$0x1] =	wrdreg $0xFFFFFFFF  }
0xad: {  	[dreg:$0x0] =	wrdreg $0x60  }
0xae: {  	[dreg:$0x2] =	wrdreg s24  }
0xaf: {  	[dreg:$0x3] =	wrdreg s2  }
0xb0: {  	[dreg:$0x4] =	wrdreg $0x9  }
0xb1: {  	_ =	task.clear_ibuf [dreg:s7], $0x5FFFF;
	_ =	strace $0x90000046  }
0xb2: {  	s29 =	simm.s32 $0x9;
	_ =	strace $0x80000048  }
0xb3: {  	_ =	swait.ge [sflag:s29], $0x1  }
0xb4: {  	[sflag:s29] =	ssyncadd.s32 $0xFFFFFFFF  }
0xb5: {  	_ =	strace $0x90000048  }
0xb6: {  	_ =	sfence  }
0xb7: {  	s30 =	sld [smem:$0x0];
	_ =	sdelay $0x2  }
0xb8: {  	s31 =	sshll.u32 s1, $0xD;
	s1 =	sshrl.u32 s1, $0x2  }
0xb9: {  	s3 =	sand.u32 $0x4000, s31;
	s1 =	sadd.s32 s1, s30  }
0xba: {  	s0 =	sor.u32 s3, s0;
	s1 =	sshll.u32 s1, $0x11  }
0xbb: {  	s0 =	sor.u32 s1, s0  }
0xbc: {  	s0 =	sadd.s32 $0x8F2B, s0  }
0xbd: {  	[sflag:s0] =	ssyncadd.remote.s32 $0x1  }
0xbe: {  	_ =	sfence.sel $0xFFFF  }
0xbf: {  	[dreg:$0x0] =	wrdreg $0xFFFFFFFF;
	(pc) =	sbr.abs _section_cstart, $3  }
0xc0: {  	[dreg:$0x1] =	wrdreg $0xFFFFFFFF  }
0xc1: {  	_ =	task.clear_ibuf [dreg:s7], $0x2FFFF;
	_ =	strace $0x9FFFFFFF  }
0xc2: {  	(tm) =	ssettm $0x7FFFFFFF  }
0xc3: {  	_ =	shalt  }
tec
execute0_lowered:
.L_overlay_start_1:
0x0: {  	(tag) =	ssettag $0x1  }
0x1: {  	s1 =	srdreg.scid;
	s6 =	rddreg [dreg:$0x0]  }
0x2: {  	s0 =	stileid.u32;
	s2 =	rddreg [dreg:$0x1]  }
0x3: {  	s4 =	simm.s32 $0x0;
	s10 =	simm.s32 $0x10000;
	s5 =	sand.u32 $0x1, s1  }
0x4: {  	s11 =	simm.s32 $0x16800;
	s30 =	sshll.u32 s0, $0xA;
	s3 =	sshll.u32 s5, $0x9  }
0x5: {  	s12 =	simm.s32 $0x2;
	s1 =	rddreg [dreg:$0x2];
	s3 =	sor.u32 s3, s30  }
0x6: {  	s13 =	simm.s32 $0x0;
	[smem:$0x7FF] =	sst s4;
	s7 =	sshrl.u32 s3, $0x3  }
0x7: {  	s9 =	ssub.s32 $0x2, s5;
	s8 =	sshll.u32 s3, $0x4;
	s7 =	smul.u32 $0x680, s7  }
0x8: {  	v0 =	vlaneseq.u32;
	_ =	strace $0x80000047;
	s31 =	sshrl.u32 s9, $0x1;
	s6 =	sadd.s32 s8, s6  }
0x9: {  	v1 =	vmul.u32 $0xFFFFFFFF, v0;
	s8 =	ssub.s32 s9, s31;
	s9 =	simm.s32 $0x1;
	s5 =	sadd.s32 s2, s7  }
0xa: {  	v2 =	vimm.s32 $0x0;
	v3 =	vimm.s32 $0x1;
	s6 =	sadd.s32 $0x400, s6;
	s8 =	smax.u32 s8, $0x1;
	s7 =	sadd.s32 $0xD00, s5  }
.LBB2_1:
0xb: {  	v6 =	vor.u32 s4, v0  }
0xc: {  	v4 =	vmulhi.u32 $0x4EC4EC4F, v6  }
0xd: {  	s14 =	simm.s32 $0x10  }
0xe: {  	v5 =	vshrl.u32 v4, $0x3;
	v4 =	vor.u32 s14, v0  }
0xf: {  	v7 =	vmov s4;
	v8 =	vmul.u32 $0xFFFFFFE6, v5;
	v10 =	vmulhi.u32 $0x4EC4EC4F, v4  }
0x10: {  	v9 =	vsub.s32 v1, v7  }
0x11: {  	vm0 =	veq.s32 v7, v0;
	vm1 =	vne.s32 v8, v9;
	v7 =	vshrl.u32 v10, $0x3  }
0x12: {  	v9 =	vmov s14;
	vm0 =	vmand vm0, vm1;
	v10 =	vmul.u32 $0xFFFFFFE6, v7  }
0x13: {  	s17 =	simm.s32 $0x20;
	v11 =	vsub.s32 v1, v9;
	vm14 =	veq.s32 v9, v0;
	v8 =	vsel vm0, $0xFFFFFFFF, v2  }
0x14: {  	v8 =	vadd.s32 v8, v5;
	v5 =	vor.u32 s17, v0;
	vm15 =	vne.s32 v10, v11  }
0x15: {  	[tilespmem:s4], [sflag:$0x1] =	stream.linear.gather [hbm4b:s6+s4], $0x10000, $0x38;
	v9 =	vmul.u32 $0xFFFFFFE6, v8;
	v10 =	vmulhi.u32 $0x4EC4EC4F, v5;
	vm0 =	vmand vm14, vm15;
	[tilespmem:$0x1D400] =	vst v63  }
0x16: {  	s15 =	simm.s32 $0x1D000;
	v11 =	vsel vm0, $0xFFFFFFFF, v2  }
0x17: {  	s14 =	simm.s32 $0x1D200;
	[tilespmem:s15+$0x0] =	vst v8;
	v9 =	vadd.s32 v6, v9;
	v6 =	vshrl.u32 v10, $0x3;
	v7 =	vadd.s32 v11, v7  }
0x18: {  	s16 =	simm.s32 $0x30;
	[tilespmem:s14+$0x0] =	vst v9;
	v9 =	vmov s17;
	v10 =	vmul.u32 $0xFFFFFFE6, v6;
	v8 =	vmul.u32 $0xFFFFFFE6, v7  }
.LBB2_2:
0x19: {  	v11 =	vor.u32 s16, v0;
	v12 =	vsub.s32 v1, v9;
	s15 =	sadd.s32 $0x10, s15;
	s17 =	smov.u32 s16;
	p0 =	sne.s32 s16, $0x190  }
.Ltmp0:
0x1a: {  	s16 =	sadd.s32 $0x10, s16;
	vm0 =	veq.s32 v9, v0;
	s14 =	sadd.s32 $0x10, s14;
	vm1 =	vne.s32 v10, v12;
	v9 =	vadd.s32 v4, v8;
	[tilespmem:s15+$0x0] =	vst v7;
	(pc) =	sbr.rel @p0 .LBB2_2-.Ltmp0, $4  }
0x1b: {  	v8 =	vmulhi.u32 $0x4EC4EC4F, v11;
	v4 =	vmovc v5;
	v5 =	vmov v11;
	vm0 =	vmand vm0, vm1;
	[tilespmem:s14+$0x0] =	vst v9  }
0x1c: {  	v7 =	vsel vm0, $0xFFFFFFFF, v2  }
0x1d: {  	v7 =	vadd.s32 v7, v6;
	v6 =	vshrl.u32 v8, $0x3  }
0x1e: {  	v9 =	vmov s17;
	v10 =	vmul.u32 $0xFFFFFFE6, v6;
	v8 =	vmul.u32 $0xFFFFFFE6, v7  }
0x1f: {  	v11 =	vsub.s32 v1, v9  }
0x20: {  	vm0 =	veq.s32 v9, v0;
	vm1 =	vne.s32 v10, v11  }
0x21: {  	vm0 =	vmand vm0, vm1  }
0x22: {  	v62 =	vsel vm0, $0xFFFFFFFF, v2  }
0x23: {  	s15 =	sadd.s32 $0x10, s15;
	v6 =	vadd.s32 v62, v6  }
0x24: {  	s14 =	sadd.s32 $0x10, s14;
	v4 =	vadd.s32 v4, v8;
	[tilespmem:s15+$0x0] =	vst v7;
	v63 =	vmul.u32 $0xFFFFFFE6, v6  }
0x25: {  	s15 =	sadd.s32 $0x10, s15;
	[tilespmem:s14+$0x0] =	vst v4  }
0x26: {  	s14 =	sadd.s32 $0x10, s14;
	[tilespmem:s15+$0x0] =	vst v6;
	v4 =	vadd.s32 v5, v63  }
0x27: {  	s15 =	simm.s32 $0x0;
	[tilespmem:s14+$0x0] =	vst v4;
	s14 =	simm.s32 $0x0  }
.LBB2_4:
0x28: {  	s16 =	simm.s32 $0x0;
	s17 =	sshll.u32 s15, $0x6  }
0x29: {  	s18 =	sshll.u32 s15, $0x9;
	s23 =	sand.u32 $0x380, s14;
	s19 =	smul.u32 $0x3400, s16  }
0x2a: {  	p0 =	por $0x1, $0x1;
	s16 =	sand.u32 $0x40, s17;
	s18 =	sand.u32 $0x3C00, s18  }
.Ltmp1:
0x2b: {  	s21 =	sor.u32 s16, s23;
	s17 =	sadd.s32 s18, s19;
	(pc) =	sbr.rel @!p0 .LBB2_6-.Ltmp1, $4  }
0x2c: {  	s19 =	sor.u32 $0x10, s16;
	s24 =	sor.u32 s17, s21  }
0x2d: {  	s22 =	simm.s32 $0x1;
	s20 =	sor.u32 $0x20, s16;
	s25 =	sor.u32 s19, s23;
	[tilespmem:s24+$0x10000] =	vst v2  }
0x2e: {  	s28 =	sor.u32 s20, s23;
	s21 =	sor.u32 $0x30, s16;
	[tilespmem:s24+$0x16800] =	vst v2;
	s26 =	sor.u32 s17, s25  }
0x2f: {  	s24 =	sor.u32 s17, s28;
	s25 =	sor.u32 s21, s23;
	s23 =	simm.s32 $0x0;
	[tilespmem:s26+$0x10000] =	vst v2  }
.LBB2_5:
0x30: {  	s28 =	sshrl.u32 s22, $0x3;
	p0 =	sne.s32 s22, $0xF;
	s22 =	sadd.s32 $0x1, s22;
	[tilespmem:s26+$0x16800] =	vst v2  }
0x31: {  	s23 =	sadd.s32 $0x80, s23;
	s26 =	smul.u32 $0x3400, s28;
	[tilespmem:s24+$0x10000] =	vst v2  }
0x32: {  	s28 =	sand.u32 $0x380, s23;
	[tilespmem:s24+$0x16800] =	vst v2;
	s24 =	sor.u32 s17, s25  }
.Ltmp2:
0x33: {  	s25 =	sor.u32 s16, s28;
	s17 =	sadd.s32 s18, s26;
	[tilespmem:s24+$0x10000] =	vst v2;
	(pc) =	sbr.rel @p0 .LBB2_5-.Ltmp2, $4  }
0x34: {  	s29 =	sor.u32 s19, s28;
	s26 =	sor.u32 s17, s25;
	s25 =	sor.u32 s20, s28;
	[tilespmem:s24+$0x16800] =	vst v2  }
0x35: {  	[tilespmem:s26+$0x10000] =	vst v2;
	s24 =	sor.u32 s17, s25;
	s25 =	sor.u32 s21, s28  }
0x36: {  	[tilespmem:s26+$0x16800] =	vst v2;
	s26 =	sor.u32 s17, s29  }
0x37: {  	[tilespmem:s26+$0x10000] =	vst v2  }
.LBB2_6:
0x38: {  	s15 =	sadd.s32 $0x1, s15  }
0x39: {  	p0 =	sne.s32 s15, $0x1A  }
.Ltmp3:
0x3a: {  	[tilespmem:s26+$0x16800] =	vst v2;
	(pc) =	sbr.rel @p0 .LBB2_4-.Ltmp3, $4  }
0x3b: {  	[tilespmem:s24+$0x10000] =	vst v2  }
0x3c: {  	s16 =	sor.u32 s17, s25;
	[tilespmem:s24+$0x16800] =	vst v2  }
0x3d: {  	[tilespmem:s16+$0x10000] =	vst v2  }
0x3e: {  	[tilespmem:s16+$0x16800] =	vst v2  }
0x3f: {  	_ =	swait.ge [sflag:s9], $0x10000  }
0x40: {  	[sflag:s9] =	ssyncset.done $0x0  }
0x41: {  	s14 =	simm.s32 $0x0;
	[sflag:s9] =	ssyncadd.s32 $0xFFFF0000  }
.LBB2_8:
0x42: {  	s15 =	sshra.s32 s14, $0x2  }
0x43: {  	v4 =	vld [tilespmem:s15+$0x1D000]  }
0x44: {  	v5 =	vld [tilespmem:s15+$0x1D200];
	_ =	sdelay $0x4  }
0x45: {  	v6 =	vand.u32 $0xFFFFFF80, v5;
	v7 =	vshll.u32 v4, $0x7  }
0x46: {  	v8 =	vand.u32 $0x7F, v5;
	v6 =	vadd.s32 v7, v6  }
0x47: {  	v6 =	vor.u32 v8, v6;
	_ =	sdelay $0x4  }
0x48: {  	v6 =	vld.idx.msk [tilespmem:v6+s4+$0x0], $0xffff;
	_ =	sdelay $0x3  }
0x49: {  	v5 =	vshll.u32 v5, $0x6  }
0x4a: {  	v4 =	vshrl.u32 v4, $0x3;
	v5 =	vadd.s32 v6, v5  }
0x4b: {  	v4 =	vmul.u32 $0x3400, v4;
	v6 =	vshll.u32 v5, $0x3  }
0x4c: {  	v6 =	vand.u32 $0xFFFFFC00, v6  }
0x4d: {  	v59 =	vand.u32 $0x380, v7;
	v4 =	vadd.s32 v4, v6  }
0x4e: {  	v5 =	vand.u32 $0x7F, v5;
	v4 =	vor.u32 v59, v4  }
0x4f: {  	v4 =	vor.u32 v5, v4;
	_ =	sdelay $0x4  }
0x50: {  	[tilespmem:v4+s10+$0x0] =	vst.idx.msk $0xffff, v3  }
0x51: {  	v4 =	vld [tilespmem:s15+$0x1D010]  }
0x52: {  	v5 =	vld [tilespmem:s15+$0x1D210];
	_ =	sdelay $0x4  }
0x53: {  	v60 =	vand.u32 $0xFFFFFF80, v5;
	v61 =	vshll.u32 v4, $0x7  }
0x54: {  	v62 =	vand.u32 $0x7F, v5;
	v6 =	vadd.s32 v61, v60  }
0x55: {  	v6 =	vor.u32 v62, v6;
	_ =	sdelay $0x4  }
0x56: {  	v6 =	vld.idx.msk [tilespmem:v6+s4+$0x0], $0xffff;
	_ =	sdelay $0x3  }
0x57: {  	v5 =	vshll.u32 v5, $0x6  }
0x58: {  	v4 =	vshrl.u32 v4, $0x3;
	v5 =	vadd.s32 v6, v5  }
0x59: {  	v4 =	vmul.u32 $0x3400, v4;
	v6 =	vshll.u32 v5, $0x3  }
0x5a: {  	v6 =	vand.u32 $0xFFFFFC00, v6  }
0x5b: {  	v63 =	vand.u32 $0x380, v61;
	v4 =	vadd.s32 v4, v6  }
0x5c: {  	v5 =	vand.u32 $0x7F, v5;
	v4 =	vor.u32 v63, v4  }
0x5d: {  	p0 =	sne.s32 s14, $0x600;
	v4 =	vor.u32 v5, v4  }
.Ltmp4:
0x5e: {  	_ = 	snop;
	(pc) =	sbr.rel @p0 .LBB2_8-.Ltmp4, $2  }
0x5f: {  	_ =	sdelay $0x2  }
0x60: {  	s14 =	sadd.s32 $0x80, s14;
	[tilespmem:v4+s10+$0x0] =	vst.idx.msk $0xffff, v3  }
0x61: {  	s14 =	simm.s32 $0x0  }
0x62: {  	[hbm4b:s5+s14] =	stream.linear.scatter [tilespmem:s10], [sflag:$0x1], $0x6800, $0x38;
	[tilespmem:$0x1D400] =	vst v63  }
.LBB2_10:
0x63: {  	s15 =	sshra.s32 s14, $0x2  }
0x64: {  	v4 =	vld [tilespmem:s15+$0x1D000]  }
0x65: {  	v5 =	vld [tilespmem:s15+$0x1D200];
	_ =	sdelay $0x4  }
0x66: {  	v6 =	vand.u32 $0xFFFFFF80, v5;
	v7 =	vshll.u32 v4, $0x7  }
0x67: {  	v8 =	vand.u32 $0x7F, v5;
	v6 =	vadd.s32 v6, v7  }
0x68: {  	v6 =	vor.u32 v8, v6  }
0x69: {  	v6 =	vadd.s32 $0x800, v6;
	_ =	sdelay $0x4  }
0x6a: {  	v6 =	vld.idx.msk [tilespmem:v6+s4+$0x0], $0xffff;
	_ =	sdelay $0x3  }
0x6b: {  	v5 =	vshll.u32 v5, $0x6  }
0x6c: {  	v4 =	vshrl.u32 v4, $0x3;
	v5 =	vadd.s32 v6, v5  }
0x6d: {  	v4 =	vmul.u32 $0x3400, v4;
	v6 =	vshll.u32 v5, $0x3  }
0x6e: {  	v6 =	vand.u32 $0xFFFFFC00, v6  }
0x6f: {  	v59 =	vand.u32 $0x380, v7;
	v4 =	vadd.s32 v4, v6  }
0x70: {  	v5 =	vand.u32 $0x7F, v5;
	v4 =	vor.u32 v59, v4  }
0x71: {  	v4 =	vor.u32 v5, v4;
	_ =	sdelay $0x4  }
0x72: {  	[tilespmem:v4+s11+$0x0] =	vst.idx.msk $0xffff, v3  }
0x73: {  	v4 =	vld [tilespmem:s15+$0x1D010]  }
0x74: {  	v5 =	vld [tilespmem:s15+$0x1D210];
	_ =	sdelay $0x4  }
0x75: {  	v60 =	vand.u32 $0xFFFFFF80, v5;
	v61 =	vshll.u32 v4, $0x7  }
0x76: {  	v62 =	vand.u32 $0x7F, v5;
	v6 =	vadd.s32 v60, v61  }
0x77: {  	v6 =	vor.u32 v62, v6  }
0x78: {  	v6 =	vadd.s32 $0x800, v6;
	_ =	sdelay $0x4  }
0x79: {  	v6 =	vld.idx.msk [tilespmem:v6+s4+$0x0], $0xffff;
	_ =	sdelay $0x3  }
0x7a: {  	v5 =	vshll.u32 v5, $0x6  }
0x7b: {  	v4 =	vshrl.u32 v4, $0x3;
	v5 =	vadd.s32 v6, v5  }
0x7c: {  	v4 =	vmul.u32 $0x3400, v4;
	v6 =	vshll.u32 v5, $0x3  }
0x7d: {  	v6 =	vand.u32 $0xFFFFFC00, v6  }
0x7e: {  	v63 =	vand.u32 $0x380, v61;
	v4 =	vadd.s32 v4, v6  }
0x7f: {  	v5 =	vand.u32 $0x7F, v5;
	v4 =	vor.u32 v63, v4  }
0x80: {  	p0 =	sne.s32 s14, $0x600;
	v4 =	vor.u32 v5, v4  }
.Ltmp5:
0x81: {  	_ = 	snop;
	(pc) =	sbr.rel @p0 .LBB2_10-.Ltmp5, $2  }
0x82: {  	_ =	sdelay $0x2  }
0x83: {  	s14 =	sadd.s32 $0x80, s14;
	[tilespmem:v4+s11+$0x0] =	vst.idx.msk $0xffff, v3  }
0x84: {  	[hbm4b:s7+s4] =	stream.linear.scatter [tilespmem:s11], [sflag:$0x2], $0x6800, $0x38;
	[tilespmem:$0x1D400] =	vst v63  }
0x85: {  	s14 =	simm.s32 $0x1  }
.LBB2_12:
0x86: {  	s15 =	sshll.u32 s14, $0x5;
	_ =	swait.ge [sflag:s9], $0x6800  }
0x87: {  	[sflag:s9] =	ssyncset.done $0x0;
	s16 =	sadd.s32 $0xFFFFFFE0, s15  }
0x88: {  	[sflag:s9] =	ssyncadd.s32 $0xFFFF9800;
	v4 =	vmov s16;
	s16 =	simm.s32 $0x0  }
.LBB2_13:
0x89: {  	s17 =	sshra.s32 s16, $0x2  }
0x8a: {  	v5 =	vld [tilespmem:s17+$0x1D000]  }
0x8b: {  	v6 =	vld [tilespmem:s17+$0x1D200];
	_ =	sdelay $0x3  }
0x8c: {  	v7 =	vadd.s32 v4, v5  }
0x8d: {  	v8 =	vand.u32 $0xFFFFFF80, v6;
	v7 =	vshll.u32 v7, $0x7  }
0x8e: {  	v9 =	vand.u32 $0x7F, v6;
	v7 =	vadd.s32 v8, v7  }
0x8f: {  	v7 =	vor.u32 v9, v7;
	_ =	sdelay $0x4  }
0x90: {  	v7 =	vld.idx.msk [tilespmem:v7+s4+$0x0], $0xffff;
	_ =	sdelay $0x3  }
0x91: {  	v6 =	vshll.u32 v6, $0x6  }
0x92: {  	v6 =	vadd.s32 v7, v6;
	v7 =	vshrl.u32 v5, $0x3  }
0x93: {  	v7 =	vmul.u32 $0x3400, v7;
	v60 =	vshll.u32 v6, $0x3  }
0x94: {  	v5 =	vshll.u32 v5, $0x7;
	v8 =	vand.u32 $0xFFFFFC00, v60  }
0x95: {  	v5 =	vand.u32 $0x380, v5;
	v7 =	vadd.s32 v7, v8  }
0x96: {  	v6 =	vand.u32 $0x7F, v6;
	v5 =	vor.u32 v5, v7  }
0x97: {  	v5 =	vor.u32 v6, v5;
	_ =	sdelay $0x4  }
0x98: {  	[tilespmem:v5+s10+$0x0] =	vst.idx.msk $0xffff, v2  }
0x99: {  	v5 =	vld [tilespmem:s17+$0x1D010]  }
0x9a: {  	v6 =	vld [tilespmem:s17+$0x1D210];
	_ =	sdelay $0x3  }
0x9b: {  	v7 =	vadd.s32 v4, v5  }
0x9c: {  	v61 =	vand.u32 $0xFFFFFF80, v6;
	v7 =	vshll.u32 v7, $0x7  }
0x9d: {  	v62 =	vand.u32 $0x7F, v6;
	v7 =	vadd.s32 v61, v7  }
0x9e: {  	v7 =	vor.u32 v62, v7;
	_ =	sdelay $0x4  }
0x9f: {  	v7 =	vld.idx.msk [tilespmem:v7+s4+$0x0], $0xffff;
	_ =	sdelay $0x3  }
0xa0: {  	v6 =	vshll.u32 v6, $0x6  }
0xa1: {  	v6 =	vadd.s32 v7, v6;
	v7 =	vshrl.u32 v5, $0x3  }
0xa2: {  	v7 =	vmul.u32 $0x3400, v7;
	v63 =	vshll.u32 v6, $0x3  }
0xa3: {  	v5 =	vshll.u32 v5, $0x7;
	v8 =	vand.u32 $0xFFFFFC00, v63  }
0xa4: {  	v5 =	vand.u32 $0x380, v5;
	v7 =	vadd.s32 v7, v8  }
0xa5: {  	v6 =	vand.u32 $0x7F, v6;
	v5 =	vor.u32 v5, v7  }
0xa6: {  	p0 =	seq.s32 s16, $0x600;
	v5 =	vor.u32 v6, v5  }
.Ltmp6:
0xa7: {  	_ = 	snop;
	(pc) =	sbr.rel @!p0 .LBB2_13-.Ltmp6, $2  }
0xa8: {  	_ =	sdelay $0x2  }
0xa9: {  	s16 =	sadd.s32 $0x80, s16;
	[tilespmem:v5+s10+$0x0] =	vst.idx.msk $0xffff, v2  }
0xaa: {  	v4 =	vmov s15;
	s16 =	simm.s32 $0x0  }
.LBB2_15:
0xab: {  	s17 =	sshra.s32 s16, $0x2  }
0xac: {  	v5 =	vld [tilespmem:s17+$0x1D000]  }
0xad: {  	v6 =	vld [tilespmem:s17+$0x1D200];
	_ =	sdelay $0x3  }
0xae: {  	v7 =	vadd.s32 v4, v5  }
0xaf: {  	v8 =	vand.u32 $0xFFFFFF80, v6;
	v7 =	vshll.u32 v7, $0x7  }
0xb0: {  	v9 =	vand.u32 $0x7F, v6;
	v7 =	vadd.s32 v8, v7  }
0xb1: {  	v7 =	vor.u32 v9, v7;
	_ =	sdelay $0x4  }
0xb2: {  	v7 =	vld.idx.msk [tilespmem:v7+s4+$0x0], $0xffff;
	_ =	sdelay $0x3  }
0xb3: {  	v6 =	vshll.u32 v6, $0x6  }
0xb4: {  	v6 =	vadd.s32 v7, v6;
	v7 =	vshrl.u32 v5, $0x3  }
0xb5: {  	v7 =	vmul.u32 $0x3400, v7;
	v60 =	vshll.u32 v6, $0x3  }
0xb6: {  	v5 =	vshll.u32 v5, $0x7;
	v8 =	vand.u32 $0xFFFFFC00, v60  }
0xb7: {  	v5 =	vand.u32 $0x380, v5;
	v7 =	vadd.s32 v7, v8  }
0xb8: {  	v6 =	vand.u32 $0x7F, v6;
	v5 =	vor.u32 v5, v7  }
0xb9: {  	v5 =	vor.u32 v6, v5;
	_ =	sdelay $0x4  }
0xba: {  	[tilespmem:v5+s10+$0x0] =	vst.idx.msk $0xffff, v3  }
0xbb: {  	v5 =	vld [tilespmem:s17+$0x1D010]  }
0xbc: {  	v6 =	vld [tilespmem:s17+$0x1D210];
	_ =	sdelay $0x3  }
0xbd: {  	v7 =	vadd.s32 v4, v5  }
0xbe: {  	v61 =	vand.u32 $0xFFFFFF80, v6;
	v7 =	vshll.u32 v7, $0x7  }
0xbf: {  	v62 =	vand.u32 $0x7F, v6;
	v7 =	vadd.s32 v61, v7  }
0xc0: {  	v7 =	vor.u32 v62, v7;
	_ =	sdelay $0x4  }
0xc1: {  	v7 =	vld.idx.msk [tilespmem:v7+s4+$0x0], $0xffff;
	_ =	sdelay $0x3  }
0xc2: {  	v6 =	vshll.u32 v6, $0x6  }
0xc3: {  	v6 =	vadd.s32 v7, v6;
	v7 =	vshrl.u32 v5, $0x3  }
0xc4: {  	v7 =	vmul.u32 $0x3400, v7;
	v63 =	vshll.u32 v6, $0x3  }
0xc5: {  	v5 =	vshll.u32 v5, $0x7;
	v8 =	vand.u32 $0xFFFFFC00, v63  }
0xc6: {  	v5 =	vand.u32 $0x380, v5;
	v7 =	vadd.s32 v7, v8  }
0xc7: {  	v6 =	vand.u32 $0x7F, v6;
	v5 =	vor.u32 v5, v7  }
0xc8: {  	p0 =	sne.s32 s16, $0x600;
	v5 =	vor.u32 v6, v5  }
.Ltmp7:
0xc9: {  	_ = 	snop;
	(pc) =	sbr.rel @p0 .LBB2_15-.Ltmp7, $2  }
0xca: {  	_ =	sdelay $0x2  }
0xcb: {  	s16 =	sadd.s32 $0x80, s16;
	[tilespmem:v5+s10+$0x0] =	vst.idx.msk $0xffff, v3  }
0xcc: {  	s16 =	sor.u32 s3, s15  }
0xcd: {  	s16 =	sshrl.u32 s16, $0x3  }
0xce: {  	s16 =	smul.u32 $0x680, s16;
	_ =	sdelay $0x1  }
0xcf: {  	s17 =	sadd.s32 s2, s16;
	s16 =	simm.s32 $0x0  }
0xd0: {  	[hbm4b:s17+s16] =	stream.linear.scatter [tilespmem:s10], [sflag:$0x1], $0x6800, $0x38;
	[tilespmem:$0x1D400] =	vst v63  }
0xd1: {  	_ =	swait.ge [sflag:s12], $0x6800  }
0xd2: {  	s31 =	sadd.s32 $0xFFFFFFF0, s15;
	[sflag:s12] =	ssyncset.done $0x0  }
0xd3: {  	v4 =	vmov s31;
	[sflag:s12] =	ssyncadd.s32 $0xFFFF9800  }
.LBB2_17:
0xd4: {  	s17 =	sshra.s32 s16, $0x2  }
0xd5: {  	v5 =	vld [tilespmem:s17+$0x1D000]  }
0xd6: {  	v6 =	vld [tilespmem:s17+$0x1D200];
	_ =	sdelay $0x3  }
0xd7: {  	v7 =	vadd.s32 v4, v5  }
0xd8: {  	v8 =	vand.u32 $0xFFFFFF80, v6;
	v7 =	vshll.u32 v7, $0x7  }
0xd9: {  	v9 =	vand.u32 $0x7F, v6;
	v7 =	vadd.s32 v8, v7  }
0xda: {  	v7 =	vor.u32 v9, v7;
	_ =	sdelay $0x4  }
0xdb: {  	v7 =	vld.idx.msk [tilespmem:v7+s4+$0x0], $0xffff;
	_ =	sdelay $0x3  }
0xdc: {  	v6 =	vshll.u32 v6, $0x6  }
0xdd: {  	v6 =	vadd.s32 v7, v6;
	v7 =	vshrl.u32 v5, $0x3  }
0xde: {  	v7 =	vmul.u32 $0x3400, v7;
	v60 =	vshll.u32 v6, $0x3  }
0xdf: {  	v5 =	vshll.u32 v5, $0x7;
	v8 =	vand.u32 $0xFFFFFC00, v60  }
0xe0: {  	v5 =	vand.u32 $0x380, v5;
	v7 =	vadd.s32 v7, v8  }
0xe1: {  	v6 =	vand.u32 $0x7F, v6;
	v5 =	vor.u32 v5, v7  }
0xe2: {  	v5 =	vor.u32 v6, v5;
	_ =	sdelay $0x4  }
0xe3: {  	[tilespmem:v5+s11+$0x0] =	vst.idx.msk $0xffff, v2  }
0xe4: {  	v5 =	vld [tilespmem:s17+$0x1D010]  }
0xe5: {  	v6 =	vld [tilespmem:s17+$0x1D210];
	_ =	sdelay $0x3  }
0xe6: {  	v7 =	vadd.s32 v4, v5  }
0xe7: {  	v61 =	vand.u32 $0xFFFFFF80, v6;
	v7 =	vshll.u32 v7, $0x7  }
0xe8: {  	v62 =	vand.u32 $0x7F, v6;
	v7 =	vadd.s32 v61, v7  }
0xe9: {  	v7 =	vor.u32 v62, v7;
	_ =	sdelay $0x4  }
0xea: {  	v7 =	vld.idx.msk [tilespmem:v7+s4+$0x0], $0xffff;
	_ =	sdelay $0x3  }
0xeb: {  	v6 =	vshll.u32 v6, $0x6  }
0xec: {  	v6 =	vadd.s32 v7, v6;
	v7 =	vshrl.u32 v5, $0x3  }
0xed: {  	v7 =	vmul.u32 $0x3400, v7;
	v63 =	vshll.u32 v6, $0x3  }
0xee: {  	v5 =	vshll.u32 v5, $0x7;
	v8 =	vand.u32 $0xFFFFFC00, v63  }
0xef: {  	v5 =	vand.u32 $0x380, v5;
	v7 =	vadd.s32 v7, v8  }
0xf0: {  	v6 =	vand.u32 $0x7F, v6;
	v5 =	vor.u32 v5, v7  }
0xf1: {  	p0 =	seq.s32 s16, $0x600;
	v5 =	vor.u32 v6, v5  }
.Ltmp8:
0xf2: {  	_ = 	snop;
	(pc) =	sbr.rel @!p0 .LBB2_17-.Ltmp8, $2  }
0xf3: {  	_ =	sdelay $0x2  }
0xf4: {  	s16 =	sadd.s32 $0x80, s16;
	[tilespmem:v5+s11+$0x0] =	vst.idx.msk $0xffff, v2  }
0xf5: {  	s15 =	sor.u32 $0x10, s15  }
0xf6: {  	s16 =	simm.s32 $0x0;
	v4 =	vmov s15  }
.LBB2_19:
0xf7: {  	s17 =	sshra.s32 s16, $0x2  }
0xf8: {  	v5 =	vld [tilespmem:s17+$0x1D000]  }
0xf9: {  	v6 =	vld [tilespmem:s17+$0x1D200];
	_ =	sdelay $0x3  }
0xfa: {  	v7 =	vadd.s32 v4, v5  }
0xfb: {  	v8 =	vand.u32 $0xFFFFFF80, v6;
	v7 =	vshll.u32 v7, $0x7  }
0xfc: {  	v9 =	vand.u32 $0x7F, v6;
	v7 =	vadd.s32 v8, v7  }
0xfd: {  	v7 =	vor.u32 v9, v7;
	_ =	sdelay $0x4  }
0xfe: {  	v7 =	vld.idx.msk [tilespmem:v7+s4+$0x0], $0xffff;
	_ =	sdelay $0x3  }
0xff: {  	v6 =	vshll.u32 v6, $0x6  }
0x100: {  	v6 =	vadd.s32 v7, v6;
	v7 =	vshrl.u32 v5, $0x3  }
0x101: {  	v7 =	vmul.u32 $0x3400, v7;
	v60 =	vshll.u32 v6, $0x3  }
0x102: {  	v5 =	vshll.u32 v5, $0x7;
	v8 =	vand.u32 $0xFFFFFC00, v60  }
0x103: {  	v5 =	vand.u32 $0x380, v5;
	v7 =	vadd.s32 v7, v8  }
0x104: {  	v6 =	vand.u32 $0x7F, v6;
	v5 =	vor.u32 v5, v7  }
0x105: {  	v5 =	vor.u32 v6, v5;
	_ =	sdelay $0x4  }
0x106: {  	[tilespmem:v5+s11+$0x0] =	vst.idx.msk $0xffff, v3  }
0x107: {  	v5 =	vld [tilespmem:s17+$0x1D010]  }
0x108: {  	v6 =	vld [tilespmem:s17+$0x1D210];
	_ =	sdelay $0x3  }
0x109: {  	v7 =	vadd.s32 v4, v5  }
0x10a: {  	v61 =	vand.u32 $0xFFFFFF80, v6;
	v7 =	vshll.u32 v7, $0x7  }
0x10b: {  	v62 =	vand.u32 $0x7F, v6;
	v7 =	vadd.s32 v61, v7  }
0x10c: {  	v7 =	vor.u32 v62, v7;
	_ =	sdelay $0x4  }
0x10d: {  	v7 =	vld.idx.msk [tilespmem:v7+s4+$0x0], $0xffff;
	_ =	sdelay $0x3  }
0x10e: {  	v6 =	vshll.u32 v6, $0x6  }
0x10f: {  	v6 =	vadd.s32 v7, v6;
	v7 =	vshrl.u32 v5, $0x3  }
0x110: {  	v7 =	vmul.u32 $0x3400, v7;
	v63 =	vshll.u32 v6, $0x3  }
0x111: {  	v5 =	vshll.u32 v5, $0x7;
	v8 =	vand.u32 $0xFFFFFC00, v63  }
0x112: {  	v5 =	vand.u32 $0x380, v5;
	v7 =	vadd.s32 v7, v8  }
0x113: {  	v6 =	vand.u32 $0x7F, v6;
	v5 =	vor.u32 v5, v7  }
0x114: {  	p0 =	sne.s32 s16, $0x600;
	v5 =	vor.u32 v6, v5  }
.Ltmp9:
0x115: {  	_ = 	snop;
	(pc) =	sbr.rel @p0 .LBB2_19-.Ltmp9, $2  }
0x116: {  	_ =	sdelay $0x2  }
0x117: {  	s16 =	sadd.s32 $0x80, s16;
	[tilespmem:v5+s11+$0x0] =	vst.idx.msk $0xffff, v3  }
0x118: {  	s14 =	sadd.s32 $0x1, s14  }
0x119: {  	s15 =	sor.u32 s3, s15;
	p0 =	sne.s32 s14, $0x10  }
.Ltmp10:
0x11a: {  	s15 =	sshrl.u32 s15, $0x3;
	(pc) =	sbr.rel @p0 .LBB2_12-.Ltmp10, $3  }
0x11b: {  	s15 =	smul.u32 $0x680, s15;
	_ =	sdelay $0x1  }
0x11c: {  	s15 =	sadd.s32 s2, s15  }
0x11d: {  	[hbm4b:s15+s4] =	stream.linear.scatter [tilespmem:s11], [sflag:$0x2], $0x6800, $0x38;
	[tilespmem:$0x1D400] =	vst v63  }
0x11e: {  	s13 =	sadd.s32 $0x1, s13  }
0x11f: {  	_ =	swait.ge [sflag:s9], $0x6800;
	p0 =	sne.s32 s13, s8  }
.Ltmp11:
0x120: {  	[sflag:s9] =	ssyncset.done $0x0;
	(pc) =	sbr.rel @p0 .LBB2_1-.Ltmp11, $4  }
0x121: {  	[sflag:s9] =	ssyncadd.s32 $0xFFFF9800  }
0x122: {  	_ =	swait.ge [sflag:s12], $0x6800  }
0x123: {  	[sflag:s12] =	ssyncset.done $0x0  }
0x124: {  	[sflag:s12] =	ssyncadd.s32 $0xFFFF9800  }
0x125: {  	_ =	sfence.sel $0x180000  }
0x126: {  	[bflag:$0x0] =	sbarrier.arrive $0xFFFF  }
0x127: {  	p0 =	sne.s32 s0, $0x0;
	_ =	strace $0x90000047  }
0x128: {  	s0 =	sadd.s32 @!p0 $0x100000, s1;
	[bflag:$0x2] =	sbarrier.arrive $0xFFFF  }
0x129: {  	[sflag:s0] =	ssyncadd.tile.s32 @!p0 $0x1;
	_ =	shalt  }
.Lfunc_end2:
_tile_overlayer_lowered:
.L_overlay_start_2:
0x12a: {  	(tag) =	ssettag $0x2  }
0x12b: {  	s0 =	rddreg [dreg:$0x0];
	s2 =	stileid.u32  }
0x12c: {  	s1 =	rddreg [dreg:$0x1];
	p0 =	sne.s32 s2, $0x0  }
0x12d: {  	s3 =	rddreg [dreg:$0x2];
	[bflag:$0x3] =	sbarrier.arrive $0xFFFF;
	s2 =	simm.s32 @!p0 $0x1C03  }
0x12e: {  	[timem:s3], [sflag:s2] =	dma.local @!p0 [hbm:s0], s1  }
0x12f: {  	s0 =	simm.s32 @!p0 $0x3  }
0x130: {  	_ =	swait.ge @!p0 [sflag:s0], s1  }
0x131: {  	s1 =	ssub.s32 @!p0 $0x0, s1;
	[sflag:s0] =	ssyncset.done @!p0 $0x0  }
0x132: {  	[sflag:s0] =	ssyncadd.s32 @!p0 s1  }
0x133: {  	[bflag:$0x3] =	sbarrier.arrive $0xFFFF  }
0x134: {  	_ =	shalt  }

</sc_bundles>
